<compile_context>
chip_gen: v7x
topology: tpu7x:2x2x1
jax: 0.10.2.dev20260603
libtpu: 0.0.44.dev20260713+nightly
codegen_flags: <defaults>
</compile_context>

<pallas_src>
import functools

import jax
import jax.numpy as jnp
from jax import lax
from jax.experimental import pallas as pl
from jax.experimental.pallas import tpu as pltpu
from jax.experimental.pallas import tpu_sc as plsc

ND = 1000
NPRO = 9000
N = ND + NPRO
E = 320000
D = 128
DG = 16
NDP = 1024
TRASH = ND

NC = 2
NS = 16
NW = NC * NS
VEC = 16
EPT = E // NW
RING = 16
G = 16
UNROLL = 1


def _dotT(x, w):
    return lax.dot_general(x, w, (((1,), (1,)), ((), ())),
                           preferred_element_type=jnp.float32)


def _mlp_body(dF, W1, b1, W2, b2, out):
    h = jnp.maximum(_dotT(dF[...], W1[...]) + b1[...], 0.0)
    out[...] = jnp.maximum(_dotT(h, W2[...]) + b2[...], 0.0)


def _final_body(parts, degp, drugF, Wl, Wr, bs, out):
    acc = parts[0] + parts[1]
    deg = (degp[0] + degp[1])[:ND, :1]
    mean = acc[:ND] / jnp.maximum(deg, 1.0)
    r = _dotT(mean, Wl[...]) + _dotT(drugF[...], Wr[...]) + bs[...]
    out[...] = jnp.maximum(r, 0.0)


def _sc_agg_body(edge_hbm, xf_hbm, zr_hbm, zd_hbm, out_hbm, dout_hbm,
                 src_stage, dst_stage, src_f, dst_f, rows, ones_buf,
                 acc_sh, deg_sh, sems):
    cid = lax.axis_index("c")
    sid = lax.axis_index("s")
    wid = cid * NS + sid
    base = wid * EPT
    rpt = NDP // NS

    pltpu.sync_copy(zr_hbm.at[pl.ds(sid * rpt, rpt)],
                    acc_sh.at[pl.ds(sid * rpt, rpt)])
    pltpu.sync_copy(zd_hbm.at[pl.ds(sid * rpt, rpt)],
                    deg_sh.at[pl.ds(sid * rpt, rpt)])

    for r in range(G):
        ones_buf[r] = jnp.ones((VEC,), jnp.float32)

    pltpu.sync_copy(edge_hbm.at[pl.ds(base, EPT)], src_stage)
    pltpu.sync_copy(edge_hbm.at[pl.ds(E + base, EPT)], dst_stage)

    def fbody(i, cnt):
        for u in range(UNROLL):
            v = i * UNROLL + u
            s16 = src_stage[pl.ds(v * VEC, VEC)]
            d16 = dst_stage[pl.ds(v * VEC, VEC)]
            m = d16 < ND
            pos = cnt + plsc.cumsum(m.astype(jnp.int32)) - 1
            plsc.store_scatter(src_f, [pos], s16, mask=m)
            plsc.store_scatter(dst_f, [pos], d16, mask=m)
            cnt = cnt + plsc.all_reduce_population_count(m)
        return cnt

    cnt_v = lax.fori_loop(0, EPT // (VEC * UNROLL), fbody,
                          jnp.zeros((VEC,), jnp.int32))
    k = jnp.max(cnt_v)

    lanes = lax.iota(jnp.int32, VEC)
    for q in range(G // VEC):
        plsc.store_scatter(src_f, [k + q * VEC + lanes],
                           jnp.zeros((VEC,), jnp.int32))
        plsc.store_scatter(dst_f, [k + q * VEC + lanes],
                           jnp.full((VEC,), TRASH, jnp.int32))
    nch = (k + G - 1) // G

    def issue(j):
        slot = j % RING
        idx = src_f.at[pl.ds(j * G, G)]
        pltpu.make_async_copy(xf_hbm.at[idx], rows.at[slot], sems.at[slot]).start()

    for r in range(RING):
        @pl.when(r < nch)
        def _():
            issue(r)

    def body2(j, _):
        slot = j % RING
        pltpu.make_async_copy(xf_hbm.at[pl.ds(0, G)], rows.at[slot],
                              sems.at[slot]).wait()
        for q in range(G // VEC):
            d16 = dst_f[pl.ds(j * G + q * VEC, VEC)]
            pltpu.sync_copy(rows.at[slot, pl.ds(q * VEC, VEC)],
                            acc_sh.at[d16], add=True)
            pltpu.sync_copy(ones_buf.at[pl.ds(0, VEC)], deg_sh.at[d16], add=True)

        @pl.when(j + RING < nch)
        def _():
            issue(j + RING)
        return 0

    lax.fori_loop(0, nch, body2, 0)

    plsc.subcore_barrier()

    pltpu.sync_copy(acc_sh.at[pl.ds(sid * rpt, rpt)],
                    out_hbm.at[cid, pl.ds(sid * rpt, rpt)])
    pltpu.sync_copy(deg_sh.at[pl.ds(sid * rpt, rpt)],
                    dout_hbm.at[cid, pl.ds(sid * rpt, rpt)])


def _sc_agg(edge_index, xf, zr, zd):
    mesh = plsc.VectorSubcoreMesh(core_axis_name="c", subcore_axis_name="s",
                                  num_cores=NC, num_subcores=NS)
    f = functools.partial(
        pl.kernel,
        out_type=(jax.ShapeDtypeStruct((NC, NDP, D), jnp.float32),
                  jax.ShapeDtypeStruct((NC, NDP, DG), jnp.float32)),
        mesh=mesh,
        compiler_params=pltpu.CompilerParams(needs_layout_passes=False,
                                             use_tc_tiling_on_sc=False),
        scratch_types=[
            pltpu.VMEM((EPT,), jnp.int32),
            pltpu.VMEM((EPT,), jnp.int32),
            pltpu.VMEM((EPT + G,), jnp.int32),
            pltpu.VMEM((EPT + G,), jnp.int32),
            pltpu.VMEM((RING, G, D), jnp.float32),
            pltpu.VMEM((G, DG), jnp.float32),
            pltpu.VMEM_SHARED((NDP, D), jnp.float32),
            pltpu.VMEM_SHARED((NDP, DG), jnp.float32),
            pltpu.SemaphoreType.DMA((RING,)),
        ],
    )(_sc_agg_body)
    return f(edge_index.reshape(2 * E), xf, zr, zd)


def kernel(edge_index, drugFeatures, W1, b1, W2, b2, protein_emb,
           Wl0, Wr0, bs0, Wl1, Wr1, bs1):
    drugF = pl.pallas_call(
        _mlp_body,
        out_shape=jax.ShapeDtypeStruct((ND, D), jnp.float32),
    )(drugFeatures, W1, b1.reshape(1, D), W2, b2.reshape(1, D))

    xf = jnp.concatenate([drugF, protein_emb], axis=0)

    parts, degp = _sc_agg(edge_index, xf,
                          jnp.zeros((NDP, D), jnp.float32),
                          jnp.zeros((NDP, DG), jnp.float32))

    out = pl.pallas_call(
        _final_body,
        out_shape=jax.ShapeDtypeStruct((ND, D), jnp.float32),
    )(parts, degp, drugF, Wl1, Wr1, bs1.reshape(1, D))
    return out

# --- scband reference (transcript-rebuilt; emitter-appended) ---
"""Pipeline reference for scband-decagon-34059090657401 (READ-ONLY COPY).

The authoritative reference and input builder live on the scoring server;
editing this copy changes nothing except your own understanding.
"""

import jax, jax.numpy as jnp
import numpy as np

ND = 1000
NPRO = 9000
N = ND + NPRO
E = 320000
D = 128  # embeddingSize
F = 128  # featureSize
NSE = 964


def setup_inputs(seed: int = 0) -> dict:
    key = jax.random.key(seed)
    ks = jax.random.split(key, 16)
    s_f = 1.0 / np.sqrt(F)
    s_d = 1.0 / np.sqrt(D)
    inp = {}
    inp['edge_index'] = jax.random.randint(ks[0], (2, E), 0, N, dtype=jnp.int32)
    inp['drugFeatures'] = jax.random.normal(ks[1], (ND, F), dtype=jnp.float32)
    # feature2EmbedLayer1/2 (Linear: y = x @ W.T + b)
    inp['W1'] = jax.random.uniform(ks[2], (D, F), jnp.float32, -s_f, s_f)
    inp['b1'] = jax.random.uniform(ks[3], (D,), jnp.float32, -s_f, s_f)
    inp['W2'] = jax.random.uniform(ks[4], (D, D), jnp.float32, -s_d, s_d)
    inp['b2'] = jax.random.uniform(ks[5], (D,), jnp.float32, -s_d, s_d)
    # protein embedding table
    inp['protein_emb'] = jax.random.normal(ks[6], (NPRO, D), dtype=jnp.float32)
    # SAGEConv layers: mean-aggr -> lin_l, root -> lin_r, plus bias
    inp['Wl0'] = jax.random.uniform(ks[7], (D, D), jnp.float32, -s_d, s_d)
    inp['Wr0'] = jax.random.uniform(ks[8], (D, D), jnp.float32, -s_d, s_d)
    inp['bs0'] = jax.random.uniform(ks[9], (D,), jnp.float32, -s_d, s_d)
    inp['Wl1'] = jax.random.uniform(ks[10], (D, D), jnp.float32, -s_d, s_d)
    inp['Wr1'] = jax.random.uniform(ks[11], (D, D), jnp.float32, -s_d, s_d)
    inp['bs1'] = jax.random.uniform(ks[12], (D,), jnp.float32, -s_d, s_d)
    return inp


def _sage(x, src, dst, Wl, Wr, b):
    # SAGEConv with mean aggregation: lin_l(mean_{j in N(i)} x_j) + lin_r(x_i) + b
    msgs = jnp.take(x, src, axis=0)
    summed = jax.ops.segment_sum(msgs, dst, num_segments=N)
    deg = jax.ops.segment_sum(jnp.ones((src.shape[0], 1), x.dtype), dst, num_segments=N)
    mean = summed / jnp.clip(deg, 1.0)
    return mean @ Wl.T + x @ Wr.T + b


def reference(edge_index, drugFeatures, W1, b1, W2, b2, protein_emb,
              Wl0, Wr0, bs0, Wl1, Wr1, bs1):
    drugF = jax.nn.relu(drugFeatures @ W1.T + b1)
    drugF = jax.nn.relu(drugF @ W2.T + b2)
    xF = jnp.concatenate([drugF, protein_emb], axis=0)
    src = edge_index[0]
    dst = edge_index[1]
    # NOTE: faithful to original forward1 -- each layer consumes xF (not the
    # previous layer's output); final x comes from the last layer.
    x = xF
    for (Wl, Wr, bs) in [(Wl0, Wr0, bs0), (Wl1, Wr1, bs1)]:
        x = jax.nn.relu(_sage(xF, src, dst, Wl, Wr, bs))
    finalX = x[:ND]
    return finalX

if __name__ == "__main__":
    import jax
    _d = setup_inputs()
    print(jax.jit(kernel)(*tuple(_d.values())))

</pallas_src>

<mosaic_0001>
#map = affine_map<(d0, d1) -> (0)>
#map1 = affine_map<(d0, d1) -> (0, 0)>
#map2 = affine_map<(d0, d1) -> (0, 0, 0)>
module attributes {stable_mosaic.version = 14 : i64} {
  func.func @_sc_agg_body(%arg0: i32, %arg1: i32, %arg2: memref<640000xi32, #tpu.memory_space<hbm>>, %arg3: memref<10000x128xf32, #tpu.memory_space<hbm>>, %arg4: memref<1024x128xf32, #tpu.memory_space<hbm>>, %arg5: memref<1024x16xf32, #tpu.memory_space<hbm>>, %arg6: memref<2x1024x128xf32, #tpu.memory_space<hbm>>, %arg7: memref<2x1024x16xf32, #tpu.memory_space<hbm>>, %arg8: memref<10000xi32, #tpu.memory_space<vmem>>, %arg9: memref<10000xi32, #tpu.memory_space<vmem>>, %arg10: memref<10016xi32, #tpu.memory_space<vmem>>, %arg11: memref<10016xi32, #tpu.memory_space<vmem>>, %arg12: memref<16x16x128xf32, #tpu.memory_space<vmem>>, %arg13: memref<16x16xf32, #tpu.memory_space<vmem>>, %arg14: memref<1024x128xf32, #tpu.memory_space<vmem_shared>>, %arg15: memref<1024x16xf32, #tpu.memory_space<vmem_shared>>, %arg16: memref<16x!tpu.dma_semaphore, #tpu.memory_space<semaphore_mem>>) attributes {dimension_semantics = [#tpu.dimension_semantics<core_parallel>, #tpu.dimension_semantics<subcore_parallel>], iteration_bounds = array<i64: 2, 16>, scalar_prefetch = 0 : i64, scratch_operands = 9 : i64, tpu.core_type = #tpu.core_type<sc_vector_subcore>, window_params = [{transform_indices = #map}, {transform_indices = #map1}, {transform_indices = #map1}, {transform_indices = #map1}, {transform_indices = #map2}, {transform_indices = #map2}]} {
    %mul3A = arith.constant 16 : i32
    %mul3A_0 = arith.muli %arg0, %mul3A : i32
    %add3A = arith.addi %mul3A_0, %arg1 : i32
    %mul3A_1 = arith.constant 10000 : i32
    %mul3A_2 = arith.muli %add3A, %mul3A_1 : i32
    %mul3A_3 = arith.constant 64 : i32
    %mul3A_4 = arith.muli %arg1, %mul3A_3 : i32
    %mul3A_5 = arith.constant 64 : i32
    %mul3A_6 = arith.muli %arg1, %mul3A_5 : i32
    "tpu.region"() ({
      %run_scoped3A = tpu.sem_alloc : memref<!tpu.dma_semaphore, #tpu.memory_space<semaphore_mem>>
      %dma_start3A = arith.constant 0 : i32
      %dma_start3A_249 = tpu.memref_slice %arg14[%mul3A_6, %dma_start3A] : memref<1024x128xf32, #tpu.memory_space<vmem_shared>> -> memref<64x128xf32, #tpu.memory_space<vmem_shared>>
      %dma_start3A_250 = arith.constant 0 : i32
      %dma_start3A_251 = tpu.memref_slice %arg4[%mul3A_4, %dma_start3A_250] : memref<1024x128xf32, #tpu.memory_space<hbm>> -> memref<64x128xf32, #tpu.memory_space<hbm>>
      tpu.enqueue_dma source(%dma_start3A_251 : memref<64x128xf32, #tpu.memory_space<hbm>>) target(%dma_start3A_249 : memref<64x128xf32, #tpu.memory_space<vmem_shared>>) target_semaphore(%run_scoped3A : memref<!tpu.dma_semaphore, #tpu.memory_space<semaphore_mem>>)
      %dma_wait3A = arith.constant 0 : i32
      %dma_wait3A_252 = tpu.memref_slice %arg14[%mul3A_6, %dma_wait3A] : memref<1024x128xf32, #tpu.memory_space<vmem_shared>> -> memref<64x128xf32, #tpu.memory_space<vmem_shared>>
      %dma_wait3A_253 = arith.constant 0 : i32
      %dma_wait3A_254 = tpu.memref_slice %arg4[%mul3A_4, %dma_wait3A_253] : memref<1024x128xf32, #tpu.memory_space<hbm>> -> memref<64x128xf32, #tpu.memory_space<hbm>>
      tpu.wait_dma2 semaphore(%run_scoped3A : memref<!tpu.dma_semaphore, #tpu.memory_space<semaphore_mem>>) src(%dma_wait3A_254 : memref<64x128xf32, #tpu.memory_space<hbm>>) dst(%dma_wait3A_252 : memref<64x128xf32, #tpu.memory_space<vmem_shared>>)
      tpu.yield
    }) : () -> ()
    %mul3A_7 = arith.constant 64 : i32
    %mul3A_8 = arith.muli %arg1, %mul3A_7 : i32
    %mul3A_9 = arith.constant 64 : i32
    %mul3A_10 = arith.muli %arg1, %mul3A_9 : i32
    "tpu.region"() ({
      %run_scoped3A = tpu.sem_alloc : memref<!tpu.dma_semaphore, #tpu.memory_space<semaphore_mem>>
      %dma_start3A = arith.constant 0 : i32
      %dma_start3A_249 = tpu.memref_slice %arg15[%mul3A_10, %dma_start3A] : memref<1024x16xf32, #tpu.memory_space<vmem_shared>> -> memref<64x16xf32, #tpu.memory_space<vmem_shared>>
      %dma_start3A_250 = arith.constant 0 : i32
      %dma_start3A_251 = tpu.memref_slice %arg5[%mul3A_8, %dma_start3A_250] : memref<1024x16xf32, #tpu.memory_space<hbm>> -> memref<64x16xf32, #tpu.memory_space<hbm>>
      tpu.enqueue_dma source(%dma_start3A_251 : memref<64x16xf32, #tpu.memory_space<hbm>>) target(%dma_start3A_249 : memref<64x16xf32, #tpu.memory_space<vmem_shared>>) target_semaphore(%run_scoped3A : memref<!tpu.dma_semaphore, #tpu.memory_space<semaphore_mem>>)
      %dma_wait3A = arith.constant 0 : i32
      %dma_wait3A_252 = tpu.memref_slice %arg15[%mul3A_10, %dma_wait3A] : memref<1024x16xf32, #tpu.memory_space<vmem_shared>> -> memref<64x16xf32, #tpu.memory_space<vmem_shared>>
      %dma_wait3A_253 = arith.constant 0 : i32
      %dma_wait3A_254 = tpu.memref_slice %arg5[%mul3A_8, %dma_wait3A_253] : memref<1024x16xf32, #tpu.memory_space<hbm>> -> memref<64x16xf32, #tpu.memory_space<hbm>>
      tpu.wait_dma2 semaphore(%run_scoped3A : memref<!tpu.dma_semaphore, #tpu.memory_space<semaphore_mem>>) src(%dma_wait3A_254 : memref<64x16xf32, #tpu.memory_space<hbm>>) dst(%dma_wait3A_252 : memref<64x16xf32, #tpu.memory_space<vmem_shared>>)
      tpu.yield
    }) : () -> ()
    %broadcast_in_dim3A = arith.constant 1.000000e+00 : f32
    %broadcast_in_dim3A_11 = vector.broadcast %broadcast_in_dim3A : f32 to vector<16xf32>
    %swap3A = arith.constant 0 : i32
    %swap3A_12 = arith.index_cast %swap3A : i32 to index
    %swap3A_13 = arith.constant 0 : index
    %swap3A_14 = tpu.vector_load %arg13[%swap3A_12, %swap3A_13] {strides = array<i32>} : memref<16x16xf32, #tpu.memory_space<vmem>>, vector<16xf32>,
    tpu.vector_store %arg13[%swap3A_12, %swap3A_13], %broadcast_in_dim3A_11 {strides = array<i32>} : memref<16x16xf32, #tpu.memory_space<vmem>>, vector<16xf32>,
    %broadcast_in_dim3A_15 = arith.constant 1.000000e+00 : f32
    %broadcast_in_dim3A_16 = vector.broadcast %broadcast_in_dim3A_15 : f32 to vector<16xf32>
    %swap3A_17 = arith.constant 1 : i32
    %swap3A_18 = arith.index_cast %swap3A_17 : i32 to index
    %swap3A_19 = arith.constant 0 : index
    %swap3A_20 = tpu.vector_load %arg13[%swap3A_18, %swap3A_19] {strides = array<i32>} : memref<16x16xf32, #tpu.memory_space<vmem>>, vector<16xf32>,
    tpu.vector_store %arg13[%swap3A_18, %swap3A_19], %broadcast_in_dim3A_16 {strides = array<i32>} : memref<16x16xf32, #tpu.memory_space<vmem>>, vector<16xf32>,
    %broadcast_in_dim3A_21 = arith.constant 1.000000e+00 : f32
    %broadcast_in_dim3A_22 = vector.broadcast %broadcast_in_dim3A_21 : f32 to vector<16xf32>
    %swap3A_23 = arith.constant 2 : i32
    %swap3A_24 = arith.index_cast %swap3A_23 : i32 to index
    %swap3A_25 = arith.constant 0 : index
    %swap3A_26 = tpu.vector_load %arg13[%swap3A_24, %swap3A_25] {strides = array<i32>} : memref<16x16xf32, #tpu.memory_space<vmem>>, vector<16xf32>,
    tpu.vector_store %arg13[%swap3A_24, %swap3A_25], %broadcast_in_dim3A_22 {strides = array<i32>} : memref<16x16xf32, #tpu.memory_space<vmem>>, vector<16xf32>,
    %broadcast_in_dim3A_27 = arith.constant 1.000000e+00 : f32
    %broadcast_in_dim3A_28 = vector.broadcast %broadcast_in_dim3A_27 : f32 to vector<16xf32>
    %swap3A_29 = arith.constant 3 : i32
    %swap3A_30 = arith.index_cast %swap3A_29 : i32 to index
    %swap3A_31 = arith.constant 0 : index
    %swap3A_32 = tpu.vector_load %arg13[%swap3A_30, %swap3A_31] {strides = array<i32>} : memref<16x16xf32, #tpu.memory_space<vmem>>, vector<16xf32>,
    tpu.vector_store %arg13[%swap3A_30, %swap3A_31], %broadcast_in_dim3A_28 {strides = array<i32>} : memref<16x16xf32, #tpu.memory_space<vmem>>, vector<16xf32>,
    %broadcast_in_dim3A_33 = arith.constant 1.000000e+00 : f32
    %broadcast_in_dim3A_34 = vector.broadcast %broadcast_in_dim3A_33 : f32 to vector<16xf32>
    %swap3A_35 = arith.constant 4 : i32
    %swap3A_36 = arith.index_cast %swap3A_35 : i32 to index
    %swap3A_37 = arith.constant 0 : index
    %swap3A_38 = tpu.vector_load %arg13[%swap3A_36, %swap3A_37] {strides = array<i32>} : memref<16x16xf32, #tpu.memory_space<vmem>>, vector<16xf32>,
    tpu.vector_store %arg13[%swap3A_36, %swap3A_37], %broadcast_in_dim3A_34 {strides = array<i32>} : memref<16x16xf32, #tpu.memory_space<vmem>>, vector<16xf32>,
    %broadcast_in_dim3A_39 = arith.constant 1.000000e+00 : f32
    %broadcast_in_dim3A_40 = vector.broadcast %broadcast_in_dim3A_39 : f32 to vector<16xf32>
    %swap3A_41 = arith.constant 5 : i32
    %swap3A_42 = arith.index_cast %swap3A_41 : i32 to index
    %swap3A_43 = arith.constant 0 : index
    %swap3A_44 = tpu.vector_load %arg13[%swap3A_42, %swap3A_43] {strides = array<i32>} : memref<16x16xf32, #tpu.memory_space<vmem>>, vector<16xf32>,
    tpu.vector_store %arg13[%swap3A_42, %swap3A_43], %broadcast_in_dim3A_40 {strides = array<i32>} : memref<16x16xf32, #tpu.memory_space<vmem>>, vector<16xf32>,
    %broadcast_in_dim3A_45 = arith.constant 1.000000e+00 : f32
    %broadcast_in_dim3A_46 = vector.broadcast %broadcast_in_dim3A_45 : f32 to vector<16xf32>
    %swap3A_47 = arith.constant 6 : i32
    %swap3A_48 = arith.index_cast %swap3A_47 : i32 to index
    %swap3A_49 = arith.constant 0 : index
    %swap3A_50 = tpu.vector_load %arg13[%swap3A_48, %swap3A_49] {strides = array<i32>} : memref<16x16xf32, #tpu.memory_space<vmem>>, vector<16xf32>,
    tpu.vector_store %arg13[%swap3A_48, %swap3A_49], %broadcast_in_dim3A_46 {strides = array<i32>} : memref<16x16xf32, #tpu.memory_space<vmem>>, vector<16xf32>,
    %broadcast_in_dim3A_51 = arith.constant 1.000000e+00 : f32
    %broadcast_in_dim3A_52 = vector.broadcast %broadcast_in_dim3A_51 : f32 to vector<16xf32>
    %swap3A_53 = arith.constant 7 : i32
    %swap3A_54 = arith.index_cast %swap3A_53 : i32 to index
    %swap3A_55 = arith.constant 0 : index
    %swap3A_56 = tpu.vector_load %arg13[%swap3A_54, %swap3A_55] {strides = array<i32>} : memref<16x16xf32, #tpu.memory_space<vmem>>, vector<16xf32>,
    tpu.vector_store %arg13[%swap3A_54, %swap3A_55], %broadcast_in_dim3A_52 {strides = array<i32>} : memref<16x16xf32, #tpu.memory_space<vmem>>, vector<16xf32>,
    %broadcast_in_dim3A_57 = arith.constant 1.000000e+00 : f32
    %broadcast_in_dim3A_58 = vector.broadcast %broadcast_in_dim3A_57 : f32 to vector<16xf32>
    %swap3A_59 = arith.constant 8 : i32
    %swap3A_60 = arith.index_cast %swap3A_59 : i32 to index
    %swap3A_61 = arith.constant 0 : index
    %swap3A_62 = tpu.vector_load %arg13[%swap3A_60, %swap3A_61] {strides = array<i32>} : memref<16x16xf32, #tpu.memory_space<vmem>>, vector<16xf32>,
    tpu.vector_store %arg13[%swap3A_60, %swap3A_61], %broadcast_in_dim3A_58 {strides = array<i32>} : memref<16x16xf32, #tpu.memory_space<vmem>>, vector<16xf32>,
    %broadcast_in_dim3A_63 = arith.constant 1.000000e+00 : f32
    %broadcast_in_dim3A_64 = vector.broadcast %broadcast_in_dim3A_63 : f32 to vector<16xf32>
    %swap3A_65 = arith.constant 9 : i32
    %swap3A_66 = arith.index_cast %swap3A_65 : i32 to index
    %swap3A_67 = arith.constant 0 : index
    %swap3A_68 = tpu.vector_load %arg13[%swap3A_66, %swap3A_67] {strides = array<i32>} : memref<16x16xf32, #tpu.memory_space<vmem>>, vector<16xf32>,
    tpu.vector_store %arg13[%swap3A_66, %swap3A_67], %broadcast_in_dim3A_64 {strides = array<i32>} : memref<16x16xf32, #tpu.memory_space<vmem>>, vector<16xf32>,
    %broadcast_in_dim3A_69 = arith.constant 1.000000e+00 : f32
    %broadcast_in_dim3A_70 = vector.broadcast %broadcast_in_dim3A_69 : f32 to vector<16xf32>
    %swap3A_71 = arith.constant 10 : i32
    %swap3A_72 = arith.index_cast %swap3A_71 : i32 to index
    %swap3A_73 = arith.constant 0 : index
    %swap3A_74 = tpu.vector_load %arg13[%swap3A_72, %swap3A_73] {strides = array<i32>} : memref<16x16xf32, #tpu.memory_space<vmem>>, vector<16xf32>,
    tpu.vector_store %arg13[%swap3A_72, %swap3A_73], %broadcast_in_dim3A_70 {strides = array<i32>} : memref<16x16xf32, #tpu.memory_space<vmem>>, vector<16xf32>,
    %broadcast_in_dim3A_75 = arith.constant 1.000000e+00 : f32
    %broadcast_in_dim3A_76 = vector.broadcast %broadcast_in_dim3A_75 : f32 to vector<16xf32>
    %swap3A_77 = arith.constant 11 : i32
    %swap3A_78 = arith.index_cast %swap3A_77 : i32 to index
    %swap3A_79 = arith.constant 0 : index
    %swap3A_80 = tpu.vector_load %arg13[%swap3A_78, %swap3A_79] {strides = array<i32>} : memref<16x16xf32, #tpu.memory_space<vmem>>, vector<16xf32>,
    tpu.vector_store %arg13[%swap3A_78, %swap3A_79], %broadcast_in_dim3A_76 {strides = array<i32>} : memref<16x16xf32, #tpu.memory_space<vmem>>, vector<16xf32>,
    %broadcast_in_dim3A_81 = arith.constant 1.000000e+00 : f32
    %broadcast_in_dim3A_82 = vector.broadcast %broadcast_in_dim3A_81 : f32 to vector<16xf32>
    %swap3A_83 = arith.constant 12 : i32
    %swap3A_84 = arith.index_cast %swap3A_83 : i32 to index
    %swap3A_85 = arith.constant 0 : index
    %swap3A_86 = tpu.vector_load %arg13[%swap3A_84, %swap3A_85] {strides = array<i32>} : memref<16x16xf32, #tpu.memory_space<vmem>>, vector<16xf32>,
    tpu.vector_store %arg13[%swap3A_84, %swap3A_85], %broadcast_in_dim3A_82 {strides = array<i32>} : memref<16x16xf32, #tpu.memory_space<vmem>>, vector<16xf32>,
    %broadcast_in_dim3A_87 = arith.constant 1.000000e+00 : f32
    %broadcast_in_dim3A_88 = vector.broadcast %broadcast_in_dim3A_87 : f32 to vector<16xf32>
    %swap3A_89 = arith.constant 13 : i32
    %swap3A_90 = arith.index_cast %swap3A_89 : i32 to index
    %swap3A_91 = arith.constant 0 : index
    %swap3A_92 = tpu.vector_load %arg13[%swap3A_90, %swap3A_91] {strides = array<i32>} : memref<16x16xf32, #tpu.memory_space<vmem>>, vector<16xf32>,
    tpu.vector_store %arg13[%swap3A_90, %swap3A_91], %broadcast_in_dim3A_88 {strides = array<i32>} : memref<16x16xf32, #tpu.memory_space<vmem>>, vector<16xf32>,
    %broadcast_in_dim3A_93 = arith.constant 1.000000e+00 : f32
    %broadcast_in_dim3A_94 = vector.broadcast %broadcast_in_dim3A_93 : f32 to vector<16xf32>
    %swap3A_95 = arith.constant 14 : i32
    %swap3A_96 = arith.index_cast %swap3A_95 : i32 to index
    %swap3A_97 = arith.constant 0 : index
    %swap3A_98 = tpu.vector_load %arg13[%swap3A_96, %swap3A_97] {strides = array<i32>} : memref<16x16xf32, #tpu.memory_space<vmem>>, vector<16xf32>,
    tpu.vector_store %arg13[%swap3A_96, %swap3A_97], %broadcast_in_dim3A_94 {strides = array<i32>} : memref<16x16xf32, #tpu.memory_space<vmem>>, vector<16xf32>,
    %broadcast_in_dim3A_99 = arith.constant 1.000000e+00 : f32
    %broadcast_in_dim3A_100 = vector.broadcast %broadcast_in_dim3A_99 : f32 to vector<16xf32>
    %swap3A_101 = arith.constant 15 : i32
    %swap3A_102 = arith.index_cast %swap3A_101 : i32 to index
    %swap3A_103 = arith.constant 0 : index
    %swap3A_104 = tpu.vector_load %arg13[%swap3A_102, %swap3A_103] {strides = array<i32>} : memref<16x16xf32, #tpu.memory_space<vmem>>, vector<16xf32>,
    tpu.vector_store %arg13[%swap3A_102, %swap3A_103], %broadcast_in_dim3A_100 {strides = array<i32>} : memref<16x16xf32, #tpu.memory_space<vmem>>, vector<16xf32>,
    "tpu.region"() ({
      %run_scoped3A = tpu.sem_alloc : memref<!tpu.dma_semaphore, #tpu.memory_space<semaphore_mem>>
      %dma_start3A = tpu.memref_slice %arg2[%mul3A_2] : memref<640000xi32, #tpu.memory_space<hbm>> -> memref<10000xi32, #tpu.memory_space<hbm>>
      %dma_start3A_249 = tpu.memref_slice %arg2[%mul3A_2] : memref<640000xi32, #tpu.memory_space<hbm>> -> memref<10000xi32, #tpu.memory_space<hbm>>
      tpu.enqueue_dma source(%dma_start3A_249 : memref<10000xi32, #tpu.memory_space<hbm>>) target(%arg8 : memref<10000xi32, #tpu.memory_space<vmem>>) target_semaphore(%run_scoped3A : memref<!tpu.dma_semaphore, #tpu.memory_space<semaphore_mem>>)
      %dma_wait3A = tpu.memref_slice %arg2[%mul3A_2] : memref<640000xi32, #tpu.memory_space<hbm>> -> memref<10000xi32, #tpu.memory_space<hbm>>
      %dma_wait3A_250 = tpu.memref_slice %arg2[%mul3A_2] : memref<640000xi32, #tpu.memory_space<hbm>> -> memref<10000xi32, #tpu.memory_space<hbm>>
      tpu.wait_dma2 semaphore(%run_scoped3A : memref<!tpu.dma_semaphore, #tpu.memory_space<semaphore_mem>>) src(%dma_wait3A_250 : memref<10000xi32, #tpu.memory_space<hbm>>) dst(%arg8 : memref<10000xi32, #tpu.memory_space<vmem>>)
      tpu.yield
    }) : () -> ()
    %add3A_105 = arith.constant 320000 : i32
    %add3A_106 = arith.addi %add3A_105, %mul3A_2 : i32
    "tpu.region"() ({
      %run_scoped3A = tpu.sem_alloc : memref<!tpu.dma_semaphore, #tpu.memory_space<semaphore_mem>>
      %dma_start3A = tpu.memref_slice %arg2[%add3A_106] : memref<640000xi32, #tpu.memory_space<hbm>> -> memref<10000xi32, #tpu.memory_space<hbm>>
      %dma_start3A_249 = tpu.memref_slice %arg2[%add3A_106] : memref<640000xi32, #tpu.memory_space<hbm>> -> memref<10000xi32, #tpu.memory_space<hbm>>
      tpu.enqueue_dma source(%dma_start3A_249 : memref<10000xi32, #tpu.memory_space<hbm>>) target(%arg9 : memref<10000xi32, #tpu.memory_space<vmem>>) target_semaphore(%run_scoped3A : memref<!tpu.dma_semaphore, #tpu.memory_space<semaphore_mem>>)
      %dma_wait3A = tpu.memref_slice %arg2[%add3A_106] : memref<640000xi32, #tpu.memory_space<hbm>> -> memref<10000xi32, #tpu.memory_space<hbm>>
      %dma_wait3A_250 = tpu.memref_slice %arg2[%add3A_106] : memref<640000xi32, #tpu.memory_space<hbm>> -> memref<10000xi32, #tpu.memory_space<hbm>>
      tpu.wait_dma2 semaphore(%run_scoped3A : memref<!tpu.dma_semaphore, #tpu.memory_space<semaphore_mem>>) src(%dma_wait3A_250 : memref<10000xi32, #tpu.memory_space<hbm>>) dst(%arg9 : memref<10000xi32, #tpu.memory_space<vmem>>)
      tpu.yield
    }) : () -> ()
    %broadcast_in_dim3A_107 = arith.constant 0 : i32
    %broadcast_in_dim3A_108 = vector.broadcast %broadcast_in_dim3A_107 : i32 to vector<16xi32>
    %scan3A = arith.constant 0 : i32
    %scan3A_109 = arith.constant 625 : i32
    %scan3A_110 = arith.addi %scan3A, %scan3A_109 : i32
    %scan3A_111 = arith.constant 1 : i32
    %scan3A_112 = scf.for %scan3A_249 = %scan3A to %scan3A_110 step %scan3A_111 iter_args(%scan3A_250 = %broadcast_in_dim3A_108) -> (vector<16xi32>)  : i32 {
      %mul3A_251 = arith.constant 1 : i32
      %mul3A_252 = arith.muli %scan3A_249, %mul3A_251 : i32
      %add3A_253 = arith.constant 0 : i32
      %add3A_254 = arith.addi %mul3A_252, %add3A_253 : i32
      %mul3A_255 = arith.constant 16 : i32
      %mul3A_256 = arith.muli %add3A_254, %mul3A_255 : i32
      %get3A = arith.index_cast %mul3A_256 : i32 to index
      %get3A_257 = tpu.vector_load %arg8[%get3A] {strides = array<i32>} : memref<10000xi32, #tpu.memory_space<vmem>>, vector<16xi32>,
      %mul3A_258 = arith.constant 16 : i32
      %mul3A_259 = arith.muli %add3A_254, %mul3A_258 : i32
      %get3A_260 = arith.index_cast %mul3A_259 : i32 to index
      %get3A_261 = tpu.vector_load %arg9[%get3A_260] {strides = array<i32>} : memref<10000xi32, #tpu.memory_space<vmem>>, vector<16xi32>,
      %lt3A = arith.constant 1000 : i32
      %lt3A_262 = vector.broadcast %lt3A : i32 to vector<16xi32>
      %lt3A_263 = arith.cmpi slt, %get3A_261, %lt3A_262 : vector<16xi32>
      %convert_element_type3A_264 = arith.extui %lt3A_263 : vector<16xi1> to vector<16xi32>
      %broadcast_in_dim3A_265 = arith.constant true
      %broadcast_in_dim3A_266 = vector.broadcast %broadcast_in_dim3A_265 : i1 to vector<16xi1>
      %masked_cumsum3A = tpu.scan <sum>, %convert_element_type3A_264 masked %broadcast_in_dim3A_266 : vector<16xi32>, vector<16xi1> -> vector<16xi32>
      %add3A_267 = arith.addi %scan3A_250, %masked_cumsum3A : vector<16xi32>
      %sub3A_268 = arith.constant 1 : i32
      %sub3A_269 = vector.broadcast %sub3A_268 : i32 to vector<16xi32>
      %sub3A_270 = arith.subi %add3A_267, %sub3A_269 : vector<16xi32>
      tpu.vector_store_idx %arg10[%sub3A_270], %get3A_257 masked %lt3A_263 : memref<10016xi32, #tpu.memory_space<vmem>>[vector<16xi32>], vector<16xi32>, vector<16xi1>
      tpu.vector_store_idx %arg11[%sub3A_270], %get3A_261 masked %lt3A_263 : memref<10016xi32, #tpu.memory_space<vmem>>[vector<16xi32>], vector<16xi32>, vector<16xi1>
      %all_reduce_population_count3A = tpu.all_reduce %lt3A_263 {dim = 0 : i64, kind = #tpu.reduction_kind<sum>} : vector<16xi1> -> vector<16xi32>
      %add3A_271 = arith.addi %scan3A_250, %all_reduce_population_count3A : vector<16xi32>
      scf.yield %add3A_271 : vector<16xi32>
    }
    %scan3A_113 = arith.constant 625 : i32
    %reduce_max3A = arith.constant true
    %reduce_max3A_114 = vector.broadcast %reduce_max3A : i1 to vector<16xi1>
    %reduce_max3A_115 = arith.constant -2147483648 : i32
    %reduce_max3A_116 = vector.broadcast %reduce_max3A_115 : i32 to vector<16xi32>
    %reduce_max3A_117 = arith.xori %scan3A_112, %reduce_max3A_116 : vector<16xi32>
    %reduce_max3A_118 = tpu.scan <max>, %reduce_max3A_117 masked %reduce_max3A_114 : vector<16xi32>, vector<16xi1> -> vector<16xi32>
    %reduce_max3A_119 = arith.xori %reduce_max3A_118, %reduce_max3A_116 : vector<16xi32>
    %reduce_max3A_120 = vector.extract %reduce_max3A_119[15] : i32 from vector<16xi32>
    %iota3A = tpu.iota {dimensions = array<i32: 0>} : vector<16xi32>
    %add3A_121 = arith.constant 0 : i32
    %add3A_122 = arith.addi %reduce_max3A_120, %add3A_121 : i32
    %add3A_123 = vector.broadcast %add3A_122 : i32 to vector<16xi32>
    %add3A_124 = arith.addi %add3A_123, %iota3A : vector<16xi32>
    %broadcast_in_dim3A_125 = arith.constant 0 : i32
    %broadcast_in_dim3A_126 = vector.broadcast %broadcast_in_dim3A_125 : i32 to vector<16xi32>
    tpu.vector_store_idx %arg10[%add3A_124], %broadcast_in_dim3A_126 : memref<10016xi32, #tpu.memory_space<vmem>>[vector<16xi32>], vector<16xi32>,
    %add3A_127 = arith.constant 0 : i32
    %add3A_128 = arith.addi %reduce_max3A_120, %add3A_127 : i32
    %add3A_129 = vector.broadcast %add3A_128 : i32 to vector<16xi32>
    %add3A_130 = arith.addi %add3A_129, %iota3A : vector<16xi32>
    %broadcast_in_dim3A_131 = arith.constant 1000 : i32
    %broadcast_in_dim3A_132 = vector.broadcast %broadcast_in_dim3A_131 : i32 to vector<16xi32>
    tpu.vector_store_idx %arg11[%add3A_130], %broadcast_in_dim3A_132 : memref<10016xi32, #tpu.memory_space<vmem>>[vector<16xi32>], vector<16xi32>,
    %add3A_133 = arith.constant 16 : i32
    %add3A_134 = arith.addi %reduce_max3A_120, %add3A_133 : i32
    %sub3A = arith.constant 1 : i32
    %sub3A_135 = arith.subi %add3A_134, %sub3A : i32
    %jit3A = arith.constant 16 : i32
    %div3A = arith.divsi %sub3A_135, %jit3A : i32
    %sign3A = arith.constant 0 : i32
    %sign3A_136 = arith.cmpi sgt, %sub3A_135, %sign3A : i32
    %sign3A_137 = arith.extui %sign3A_136 : i1 to i32
    %sign3A_138 = arith.constant 0 : i32
    %sign3A_139 = arith.cmpi slt, %sub3A_135, %sign3A_138 : i32
    %sign3A_140 = arith.extui %sign3A_139 : i1 to i32
    %sign3A_141 = arith.subi %sign3A_137, %sign3A_140 : i32
    %sign3A_142 = arith.constant 0 : i32
    %sign3A_143 = arith.cmpi sgt, %jit3A, %sign3A_142 : i32
    %sign3A_144 = arith.extui %sign3A_143 : i1 to i32
    %sign3A_145 = arith.constant 0 : i32
    %sign3A_146 = arith.cmpi slt, %jit3A, %sign3A_145 : i32
    %sign3A_147 = arith.extui %sign3A_146 : i1 to i32
    %sign3A_148 = arith.subi %sign3A_144, %sign3A_147 : i32
    %ne3A = arith.cmpi ne, %sign3A_141, %sign3A_148 : i32
    %rem3A = arith.remsi %sub3A_135, %jit3A : i32
    %ne3A_149 = arith.constant 0 : i32
    %ne3A_150 = arith.cmpi ne, %rem3A, %ne3A_149 : i32
    %and3A = arith.andi %ne3A, %ne3A_150 : i1
    %sub3A_151 = arith.constant 1 : i32
    %sub3A_152 = arith.subi %div3A, %sub3A_151 : i32
    %select_n3A = arith.select %and3A, %sub3A_152, %div3A : i32
    %gt3A = arith.constant 0 : i32
    %gt3A_153 = arith.cmpi sgt, %select_n3A, %gt3A : i32
    %convert_element_type3A = arith.extui %gt3A_153 : i1 to i32
    %cond3A = arith.constant 0 : i32
    %cond3A_154 = arith.cmpi ne, %convert_element_type3A, %cond3A : i32
    scf.if %cond3A_154 {
      %dma_start3A = arith.constant 0 : i32
      %dma_start3A_249 = arith.constant 0 : i32
      %dma_start3A_250 = arith.constant 0 : i32
      %dma_start3A_251 = arith.constant 0 : i32
      %dma_start3A_252 = tpu.memref_slice %arg12[%dma_start3A, %dma_start3A_250, %dma_start3A_251] : memref<16x16x128xf32, #tpu.memory_space<vmem>> -> memref<1x16x128xf32, #tpu.memory_space<vmem>>
      %dma_start3A_253 = tpu.memref_squeeze %dma_start3A_252 : memref<1x16x128xf32, #tpu.memory_space<vmem>> -> memref<16x128xf32, #tpu.memory_space<vmem>>
      %dma_start3A_254 = arith.constant 0 : i32
      %dma_start3A_255 = tpu.memref_slice %arg10[%dma_start3A_254] : memref<10016xi32, #tpu.memory_space<vmem>> -> memref<16xi32, #tpu.memory_space<vmem>>
      %dma_start3A_256 = arith.constant 0 : i32
      %dma_start3A_257 = arith.constant 0 : i32
      %dma_start3A_258 = tpu.memref_slice %arg3[%dma_start3A_256, %dma_start3A_257] : memref<10000x128xf32, #tpu.memory_space<hbm>> -> memref<10000x128xf32, #tpu.memory_space<hbm>>
      %dma_start3A_259 = tpu.memref_slice %arg16[%dma_start3A_249] : memref<16x!tpu.dma_semaphore, #tpu.memory_space<semaphore_mem>> -> memref<1x!tpu.dma_semaphore, #tpu.memory_space<semaphore_mem>>
      %dma_start3A_260 = tpu.memref_squeeze %dma_start3A_259 : memref<1x!tpu.dma_semaphore, #tpu.memory_space<semaphore_mem>> -> memref<!tpu.dma_semaphore, #tpu.memory_space<semaphore_mem>>
      tpu.enqueue_indirect_dma source(%dma_start3A_258 : memref<10000x128xf32, #tpu.memory_space<hbm>>) target(%dma_start3A_253 : memref<16x128xf32, #tpu.memory_space<vmem>>) offsets(%dma_start3A_255 : memref<16xi32, #tpu.memory_space<vmem>>) semaphore(%dma_start3A_260 : memref<!tpu.dma_semaphore, #tpu.memory_space<semaphore_mem>>)
    } else {
    }
    %gt3A_155 = arith.constant 1 : i32
    %gt3A_156 = arith.cmpi sgt, %select_n3A, %gt3A_155 : i32
    %convert_element_type3A_157 = arith.extui %gt3A_156 : i1 to i32
    %cond3A_158 = arith.constant 0 : i32
    %cond3A_159 = arith.cmpi ne, %convert_element_type3A_157, %cond3A_158 : i32
    scf.if %cond3A_159 {
      %dma_start3A = arith.constant 1 : i32
      %dma_start3A_249 = arith.constant 1 : i32
      %dma_start3A_250 = arith.constant 0 : i32
      %dma_start3A_251 = arith.constant 0 : i32
      %dma_start3A_252 = tpu.memref_slice %arg12[%dma_start3A, %dma_start3A_250, %dma_start3A_251] : memref<16x16x128xf32, #tpu.memory_space<vmem>> -> memref<1x16x128xf32, #tpu.memory_space<vmem>>
      %dma_start3A_253 = tpu.memref_squeeze %dma_start3A_252 : memref<1x16x128xf32, #tpu.memory_space<vmem>> -> memref<16x128xf32, #tpu.memory_space<vmem>>
      %dma_start3A_254 = arith.constant 16 : i32
      %dma_start3A_255 = tpu.memref_slice %arg10[%dma_start3A_254] : memref<10016xi32, #tpu.memory_space<vmem>> -> memref<16xi32, #tpu.memory_space<vmem>>
      %dma_start3A_256 = arith.constant 0 : i32
      %dma_start3A_257 = arith.constant 0 : i32
      %dma_start3A_258 = tpu.memref_slice %arg3[%dma_start3A_256, %dma_start3A_257] : memref<10000x128xf32, #tpu.memory_space<hbm>> -> memref<10000x128xf32, #tpu.memory_space<hbm>>
      %dma_start3A_259 = tpu.memref_slice %arg16[%dma_start3A_249] : memref<16x!tpu.dma_semaphore, #tpu.memory_space<semaphore_mem>> -> memref<1x!tpu.dma_semaphore, #tpu.memory_space<semaphore_mem>>
      %dma_start3A_260 = tpu.memref_squeeze %dma_start3A_259 : memref<1x!tpu.dma_semaphore, #tpu.memory_space<semaphore_mem>> -> memref<!tpu.dma_semaphore, #tpu.memory_space<semaphore_mem>>
      tpu.enqueue_indirect_dma source(%dma_start3A_258 : memref<10000x128xf32, #tpu.memory_space<hbm>>) target(%dma_start3A_253 : memref<16x128xf32, #tpu.memory_space<vmem>>) offsets(%dma_start3A_255 : memref<16xi32, #tpu.memory_space<vmem>>) semaphore(%dma_start3A_260 : memref<!tpu.dma_semaphore, #tpu.memory_space<semaphore_mem>>)
    } else {
    }
    %gt3A_160 = arith.constant 2 : i32
    %gt3A_161 = arith.cmpi sgt, %select_n3A, %gt3A_160 : i32
    %convert_element_type3A_162 = arith.extui %gt3A_161 : i1 to i32
    %cond3A_163 = arith.constant 0 : i32
    %cond3A_164 = arith.cmpi ne, %convert_element_type3A_162, %cond3A_163 : i32
    scf.if %cond3A_164 {
      %dma_start3A = arith.constant 2 : i32
      %dma_start3A_249 = arith.constant 2 : i32
      %dma_start3A_250 = arith.constant 0 : i32
      %dma_start3A_251 = arith.constant 0 : i32
      %dma_start3A_252 = tpu.memref_slice %arg12[%dma_start3A, %dma_start3A_250, %dma_start3A_251] : memref<16x16x128xf32, #tpu.memory_space<vmem>> -> memref<1x16x128xf32, #tpu.memory_space<vmem>>
      %dma_start3A_253 = tpu.memref_squeeze %dma_start3A_252 : memref<1x16x128xf32, #tpu.memory_space<vmem>> -> memref<16x128xf32, #tpu.memory_space<vmem>>
      %dma_start3A_254 = arith.constant 32 : i32
      %dma_start3A_255 = tpu.memref_slice %arg10[%dma_start3A_254] : memref<10016xi32, #tpu.memory_space<vmem>> -> memref<16xi32, #tpu.memory_space<vmem>>
      %dma_start3A_256 = arith.constant 0 : i32
      %dma_start3A_257 = arith.constant 0 : i32
      %dma_start3A_258 = tpu.memref_slice %arg3[%dma_start3A_256, %dma_start3A_257] : memref<10000x128xf32, #tpu.memory_space<hbm>> -> memref<10000x128xf32, #tpu.memory_space<hbm>>
      %dma_start3A_259 = tpu.memref_slice %arg16[%dma_start3A_249] : memref<16x!tpu.dma_semaphore, #tpu.memory_space<semaphore_mem>> -> memref<1x!tpu.dma_semaphore, #tpu.memory_space<semaphore_mem>>
      %dma_start3A_260 = tpu.memref_squeeze %dma_start3A_259 : memref<1x!tpu.dma_semaphore, #tpu.memory_space<semaphore_mem>> -> memref<!tpu.dma_semaphore, #tpu.memory_space<semaphore_mem>>
      tpu.enqueue_indirect_dma source(%dma_start3A_258 : memref<10000x128xf32, #tpu.memory_space<hbm>>) target(%dma_start3A_253 : memref<16x128xf32, #tpu.memory_space<vmem>>) offsets(%dma_start3A_255 : memref<16xi32, #tpu.memory_space<vmem>>) semaphore(%dma_start3A_260 : memref<!tpu.dma_semaphore, #tpu.memory_space<semaphore_mem>>)
    } else {
    }
    %gt3A_165 = arith.constant 3 : i32
    %gt3A_166 = arith.cmpi sgt, %select_n3A, %gt3A_165 : i32
    %convert_element_type3A_167 = arith.extui %gt3A_166 : i1 to i32
    %cond3A_168 = arith.constant 0 : i32
    %cond3A_169 = arith.cmpi ne, %convert_element_type3A_167, %cond3A_168 : i32
    scf.if %cond3A_169 {
      %dma_start3A = arith.constant 3 : i32
      %dma_start3A_249 = arith.constant 3 : i32
      %dma_start3A_250 = arith.constant 0 : i32
      %dma_start3A_251 = arith.constant 0 : i32
      %dma_start3A_252 = tpu.memref_slice %arg12[%dma_start3A, %dma_start3A_250, %dma_start3A_251] : memref<16x16x128xf32, #tpu.memory_space<vmem>> -> memref<1x16x128xf32, #tpu.memory_space<vmem>>
      %dma_start3A_253 = tpu.memref_squeeze %dma_start3A_252 : memref<1x16x128xf32, #tpu.memory_space<vmem>> -> memref<16x128xf32, #tpu.memory_space<vmem>>
      %dma_start3A_254 = arith.constant 48 : i32
      %dma_start3A_255 = tpu.memref_slice %arg10[%dma_start3A_254] : memref<10016xi32, #tpu.memory_space<vmem>> -> memref<16xi32, #tpu.memory_space<vmem>>
      %dma_start3A_256 = arith.constant 0 : i32
      %dma_start3A_257 = arith.constant 0 : i32
      %dma_start3A_258 = tpu.memref_slice %arg3[%dma_start3A_256, %dma_start3A_257] : memref<10000x128xf32, #tpu.memory_space<hbm>> -> memref<10000x128xf32, #tpu.memory_space<hbm>>
      %dma_start3A_259 = tpu.memref_slice %arg16[%dma_start3A_249] : memref<16x!tpu.dma_semaphore, #tpu.memory_space<semaphore_mem>> -> memref<1x!tpu.dma_semaphore, #tpu.memory_space<semaphore_mem>>
      %dma_start3A_260 = tpu.memref_squeeze %dma_start3A_259 : memref<1x!tpu.dma_semaphore, #tpu.memory_space<semaphore_mem>> -> memref<!tpu.dma_semaphore, #tpu.memory_space<semaphore_mem>>
      tpu.enqueue_indirect_dma source(%dma_start3A_258 : memref<10000x128xf32, #tpu.memory_space<hbm>>) target(%dma_start3A_253 : memref<16x128xf32, #tpu.memory_space<vmem>>) offsets(%dma_start3A_255 : memref<16xi32, #tpu.memory_space<vmem>>) semaphore(%dma_start3A_260 : memref<!tpu.dma_semaphore, #tpu.memory_space<semaphore_mem>>)
    } else {
    }
    %gt3A_170 = arith.constant 4 : i32
    %gt3A_171 = arith.cmpi sgt, %select_n3A, %gt3A_170 : i32
    %convert_element_type3A_172 = arith.extui %gt3A_171 : i1 to i32
    %cond3A_173 = arith.constant 0 : i32
    %cond3A_174 = arith.cmpi ne, %convert_element_type3A_172, %cond3A_173 : i32
    scf.if %cond3A_174 {
      %dma_start3A = arith.constant 4 : i32
      %dma_start3A_249 = arith.constant 4 : i32
      %dma_start3A_250 = arith.constant 0 : i32
      %dma_start3A_251 = arith.constant 0 : i32
      %dma_start3A_252 = tpu.memref_slice %arg12[%dma_start3A, %dma_start3A_250, %dma_start3A_251] : memref<16x16x128xf32, #tpu.memory_space<vmem>> -> memref<1x16x128xf32, #tpu.memory_space<vmem>>
      %dma_start3A_253 = tpu.memref_squeeze %dma_start3A_252 : memref<1x16x128xf32, #tpu.memory_space<vmem>> -> memref<16x128xf32, #tpu.memory_space<vmem>>
      %dma_start3A_254 = arith.constant 64 : i32
      %dma_start3A_255 = tpu.memref_slice %arg10[%dma_start3A_254] : memref<10016xi32, #tpu.memory_space<vmem>> -> memref<16xi32, #tpu.memory_space<vmem>>
      %dma_start3A_256 = arith.constant 0 : i32
      %dma_start3A_257 = arith.constant 0 : i32
      %dma_start3A_258 = tpu.memref_slice %arg3[%dma_start3A_256, %dma_start3A_257] : memref<10000x128xf32, #tpu.memory_space<hbm>> -> memref<10000x128xf32, #tpu.memory_space<hbm>>
      %dma_start3A_259 = tpu.memref_slice %arg16[%dma_start3A_249] : memref<16x!tpu.dma_semaphore, #tpu.memory_space<semaphore_mem>> -> memref<1x!tpu.dma_semaphore, #tpu.memory_space<semaphore_mem>>
      %dma_start3A_260 = tpu.memref_squeeze %dma_start3A_259 : memref<1x!tpu.dma_semaphore, #tpu.memory_space<semaphore_mem>> -> memref<!tpu.dma_semaphore, #tpu.memory_space<semaphore_mem>>
      tpu.enqueue_indirect_dma source(%dma_start3A_258 : memref<10000x128xf32, #tpu.memory_space<hbm>>) target(%dma_start3A_253 : memref<16x128xf32, #tpu.memory_space<vmem>>) offsets(%dma_start3A_255 : memref<16xi32, #tpu.memory_space<vmem>>) semaphore(%dma_start3A_260 : memref<!tpu.dma_semaphore, #tpu.memory_space<semaphore_mem>>)
    } else {
    }
    %gt3A_175 = arith.constant 5 : i32
    %gt3A_176 = arith.cmpi sgt, %select_n3A, %gt3A_175 : i32
    %convert_element_type3A_177 = arith.extui %gt3A_176 : i1 to i32
    %cond3A_178 = arith.constant 0 : i32
    %cond3A_179 = arith.cmpi ne, %convert_element_type3A_177, %cond3A_178 : i32
    scf.if %cond3A_179 {
      %dma_start3A = arith.constant 5 : i32
      %dma_start3A_249 = arith.constant 5 : i32
      %dma_start3A_250 = arith.constant 0 : i32
      %dma_start3A_251 = arith.constant 0 : i32
      %dma_start3A_252 = tpu.memref_slice %arg12[%dma_start3A, %dma_start3A_250, %dma_start3A_251] : memref<16x16x128xf32, #tpu.memory_space<vmem>> -> memref<1x16x128xf32, #tpu.memory_space<vmem>>
      %dma_start3A_253 = tpu.memref_squeeze %dma_start3A_252 : memref<1x16x128xf32, #tpu.memory_space<vmem>> -> memref<16x128xf32, #tpu.memory_space<vmem>>
      %dma_start3A_254 = arith.constant 80 : i32
      %dma_start3A_255 = tpu.memref_slice %arg10[%dma_start3A_254] : memref<10016xi32, #tpu.memory_space<vmem>> -> memref<16xi32, #tpu.memory_space<vmem>>
      %dma_start3A_256 = arith.constant 0 : i32
      %dma_start3A_257 = arith.constant 0 : i32
      %dma_start3A_258 = tpu.memref_slice %arg3[%dma_start3A_256, %dma_start3A_257] : memref<10000x128xf32, #tpu.memory_space<hbm>> -> memref<10000x128xf32, #tpu.memory_space<hbm>>
      %dma_start3A_259 = tpu.memref_slice %arg16[%dma_start3A_249] : memref<16x!tpu.dma_semaphore, #tpu.memory_space<semaphore_mem>> -> memref<1x!tpu.dma_semaphore, #tpu.memory_space<semaphore_mem>>
      %dma_start3A_260 = tpu.memref_squeeze %dma_start3A_259 : memref<1x!tpu.dma_semaphore, #tpu.memory_space<semaphore_mem>> -> memref<!tpu.dma_semaphore, #tpu.memory_space<semaphore_mem>>
      tpu.enqueue_indirect_dma source(%dma_start3A_258 : memref<10000x128xf32, #tpu.memory_space<hbm>>) target(%dma_start3A_253 : memref<16x128xf32, #tpu.memory_space<vmem>>) offsets(%dma_start3A_255 : memref<16xi32, #tpu.memory_space<vmem>>) semaphore(%dma_start3A_260 : memref<!tpu.dma_semaphore, #tpu.memory_space<semaphore_mem>>)
    } else {
    }
    %gt3A_180 = arith.constant 6 : i32
    %gt3A_181 = arith.cmpi sgt, %select_n3A, %gt3A_180 : i32
    %convert_element_type3A_182 = arith.extui %gt3A_181 : i1 to i32
    %cond3A_183 = arith.constant 0 : i32
    %cond3A_184 = arith.cmpi ne, %convert_element_type3A_182, %cond3A_183 : i32
    scf.if %cond3A_184 {
      %dma_start3A = arith.constant 6 : i32
      %dma_start3A_249 = arith.constant 6 : i32
      %dma_start3A_250 = arith.constant 0 : i32
      %dma_start3A_251 = arith.constant 0 : i32
      %dma_start3A_252 = tpu.memref_slice %arg12[%dma_start3A, %dma_start3A_250, %dma_start3A_251] : memref<16x16x128xf32, #tpu.memory_space<vmem>> -> memref<1x16x128xf32, #tpu.memory_space<vmem>>
      %dma_start3A_253 = tpu.memref_squeeze %dma_start3A_252 : memref<1x16x128xf32, #tpu.memory_space<vmem>> -> memref<16x128xf32, #tpu.memory_space<vmem>>
      %dma_start3A_254 = arith.constant 96 : i32
      %dma_start3A_255 = tpu.memref_slice %arg10[%dma_start3A_254] : memref<10016xi32, #tpu.memory_space<vmem>> -> memref<16xi32, #tpu.memory_space<vmem>>
      %dma_start3A_256 = arith.constant 0 : i32
      %dma_start3A_257 = arith.constant 0 : i32
      %dma_start3A_258 = tpu.memref_slice %arg3[%dma_start3A_256, %dma_start3A_257] : memref<10000x128xf32, #tpu.memory_space<hbm>> -> memref<10000x128xf32, #tpu.memory_space<hbm>>
      %dma_start3A_259 = tpu.memref_slice %arg16[%dma_start3A_249] : memref<16x!tpu.dma_semaphore, #tpu.memory_space<semaphore_mem>> -> memref<1x!tpu.dma_semaphore, #tpu.memory_space<semaphore_mem>>
      %dma_start3A_260 = tpu.memref_squeeze %dma_start3A_259 : memref<1x!tpu.dma_semaphore, #tpu.memory_space<semaphore_mem>> -> memref<!tpu.dma_semaphore, #tpu.memory_space<semaphore_mem>>
      tpu.enqueue_indirect_dma source(%dma_start3A_258 : memref<10000x128xf32, #tpu.memory_space<hbm>>) target(%dma_start3A_253 : memref<16x128xf32, #tpu.memory_space<vmem>>) offsets(%dma_start3A_255 : memref<16xi32, #tpu.memory_space<vmem>>) semaphore(%dma_start3A_260 : memref<!tpu.dma_semaphore, #tpu.memory_space<semaphore_mem>>)
    } else {
    }
    %gt3A_185 = arith.constant 7 : i32
    %gt3A_186 = arith.cmpi sgt, %select_n3A, %gt3A_185 : i32
    %convert_element_type3A_187 = arith.extui %gt3A_186 : i1 to i32
    %cond3A_188 = arith.constant 0 : i32
    %cond3A_189 = arith.cmpi ne, %convert_element_type3A_187, %cond3A_188 : i32
    scf.if %cond3A_189 {
      %dma_start3A = arith.constant 7 : i32
      %dma_start3A_249 = arith.constant 7 : i32
      %dma_start3A_250 = arith.constant 0 : i32
      %dma_start3A_251 = arith.constant 0 : i32
      %dma_start3A_252 = tpu.memref_slice %arg12[%dma_start3A, %dma_start3A_250, %dma_start3A_251] : memref<16x16x128xf32, #tpu.memory_space<vmem>> -> memref<1x16x128xf32, #tpu.memory_space<vmem>>
      %dma_start3A_253 = tpu.memref_squeeze %dma_start3A_252 : memref<1x16x128xf32, #tpu.memory_space<vmem>> -> memref<16x128xf32, #tpu.memory_space<vmem>>
      %dma_start3A_254 = arith.constant 112 : i32
      %dma_start3A_255 = tpu.memref_slice %arg10[%dma_start3A_254] : memref<10016xi32, #tpu.memory_space<vmem>> -> memref<16xi32, #tpu.memory_space<vmem>>
      %dma_start3A_256 = arith.constant 0 : i32
      %dma_start3A_257 = arith.constant 0 : i32
      %dma_start3A_258 = tpu.memref_slice %arg3[%dma_start3A_256, %dma_start3A_257] : memref<10000x128xf32, #tpu.memory_space<hbm>> -> memref<10000x128xf32, #tpu.memory_space<hbm>>
      %dma_start3A_259 = tpu.memref_slice %arg16[%dma_start3A_249] : memref<16x!tpu.dma_semaphore, #tpu.memory_space<semaphore_mem>> -> memref<1x!tpu.dma_semaphore, #tpu.memory_space<semaphore_mem>>
      %dma_start3A_260 = tpu.memref_squeeze %dma_start3A_259 : memref<1x!tpu.dma_semaphore, #tpu.memory_space<semaphore_mem>> -> memref<!tpu.dma_semaphore, #tpu.memory_space<semaphore_mem>>
      tpu.enqueue_indirect_dma source(%dma_start3A_258 : memref<10000x128xf32, #tpu.memory_space<hbm>>) target(%dma_start3A_253 : memref<16x128xf32, #tpu.memory_space<vmem>>) offsets(%dma_start3A_255 : memref<16xi32, #tpu.memory_space<vmem>>) semaphore(%dma_start3A_260 : memref<!tpu.dma_semaphore, #tpu.memory_space<semaphore_mem>>)
    } else {
    }
    %gt3A_190 = arith.constant 8 : i32
    %gt3A_191 = arith.cmpi sgt, %select_n3A, %gt3A_190 : i32
    %convert_element_type3A_192 = arith.extui %gt3A_191 : i1 to i32
    %cond3A_193 = arith.constant 0 : i32
    %cond3A_194 = arith.cmpi ne, %convert_element_type3A_192, %cond3A_193 : i32
    scf.if %cond3A_194 {
      %dma_start3A = arith.constant 8 : i32
      %dma_start3A_249 = arith.constant 8 : i32
      %dma_start3A_250 = arith.constant 0 : i32
      %dma_start3A_251 = arith.constant 0 : i32
      %dma_start3A_252 = tpu.memref_slice %arg12[%dma_start3A, %dma_start3A_250, %dma_start3A_251] : memref<16x16x128xf32, #tpu.memory_space<vmem>> -> memref<1x16x128xf32, #tpu.memory_space<vmem>>
      %dma_start3A_253 = tpu.memref_squeeze %dma_start3A_252 : memref<1x16x128xf32, #tpu.memory_space<vmem>> -> memref<16x128xf32, #tpu.memory_space<vmem>>
      %dma_start3A_254 = arith.constant 128 : i32
      %dma_start3A_255 = tpu.memref_slice %arg10[%dma_start3A_254] : memref<10016xi32, #tpu.memory_space<vmem>> -> memref<16xi32, #tpu.memory_space<vmem>>
      %dma_start3A_256 = arith.constant 0 : i32
      %dma_start3A_257 = arith.constant 0 : i32
      %dma_start3A_258 = tpu.memref_slice %arg3[%dma_start3A_256, %dma_start3A_257] : memref<10000x128xf32, #tpu.memory_space<hbm>> -> memref<10000x128xf32, #tpu.memory_space<hbm>>
      %dma_start3A_259 = tpu.memref_slice %arg16[%dma_start3A_249] : memref<16x!tpu.dma_semaphore, #tpu.memory_space<semaphore_mem>> -> memref<1x!tpu.dma_semaphore, #tpu.memory_space<semaphore_mem>>
      %dma_start3A_260 = tpu.memref_squeeze %dma_start3A_259 : memref<1x!tpu.dma_semaphore, #tpu.memory_space<semaphore_mem>> -> memref<!tpu.dma_semaphore, #tpu.memory_space<semaphore_mem>>
      tpu.enqueue_indirect_dma source(%dma_start3A_258 : memref<10000x128xf32, #tpu.memory_space<hbm>>) target(%dma_start3A_253 : memref<16x128xf32, #tpu.memory_space<vmem>>) offsets(%dma_start3A_255 : memref<16xi32, #tpu.memory_space<vmem>>) semaphore(%dma_start3A_260 : memref<!tpu.dma_semaphore, #tpu.memory_space<semaphore_mem>>)
    } else {
    }
    %gt3A_195 = arith.constant 9 : i32
    %gt3A_196 = arith.cmpi sgt, %select_n3A, %gt3A_195 : i32
    %convert_element_type3A_197 = arith.extui %gt3A_196 : i1 to i32
    %cond3A_198 = arith.constant 0 : i32
    %cond3A_199 = arith.cmpi ne, %convert_element_type3A_197, %cond3A_198 : i32
    scf.if %cond3A_199 {
      %dma_start3A = arith.constant 9 : i32
      %dma_start3A_249 = arith.constant 9 : i32
      %dma_start3A_250 = arith.constant 0 : i32
      %dma_start3A_251 = arith.constant 0 : i32
      %dma_start3A_252 = tpu.memref_slice %arg12[%dma_start3A, %dma_start3A_250, %dma_start3A_251] : memref<16x16x128xf32, #tpu.memory_space<vmem>> -> memref<1x16x128xf32, #tpu.memory_space<vmem>>
      %dma_start3A_253 = tpu.memref_squeeze %dma_start3A_252 : memref<1x16x128xf32, #tpu.memory_space<vmem>> -> memref<16x128xf32, #tpu.memory_space<vmem>>
      %dma_start3A_254 = arith.constant 144 : i32
      %dma_start3A_255 = tpu.memref_slice %arg10[%dma_start3A_254] : memref<10016xi32, #tpu.memory_space<vmem>> -> memref<16xi32, #tpu.memory_space<vmem>>
      %dma_start3A_256 = arith.constant 0 : i32
      %dma_start3A_257 = arith.constant 0 : i32
      %dma_start3A_258 = tpu.memref_slice %arg3[%dma_start3A_256, %dma_start3A_257] : memref<10000x128xf32, #tpu.memory_space<hbm>> -> memref<10000x128xf32, #tpu.memory_space<hbm>>
      %dma_start3A_259 = tpu.memref_slice %arg16[%dma_start3A_249] : memref<16x!tpu.dma_semaphore, #tpu.memory_space<semaphore_mem>> -> memref<1x!tpu.dma_semaphore, #tpu.memory_space<semaphore_mem>>
      %dma_start3A_260 = tpu.memref_squeeze %dma_start3A_259 : memref<1x!tpu.dma_semaphore, #tpu.memory_space<semaphore_mem>> -> memref<!tpu.dma_semaphore, #tpu.memory_space<semaphore_mem>>
      tpu.enqueue_indirect_dma source(%dma_start3A_258 : memref<10000x128xf32, #tpu.memory_space<hbm>>) target(%dma_start3A_253 : memref<16x128xf32, #tpu.memory_space<vmem>>) offsets(%dma_start3A_255 : memref<16xi32, #tpu.memory_space<vmem>>) semaphore(%dma_start3A_260 : memref<!tpu.dma_semaphore, #tpu.memory_space<semaphore_mem>>)
    } else {
    }
    %gt3A_200 = arith.constant 10 : i32
    %gt3A_201 = arith.cmpi sgt, %select_n3A, %gt3A_200 : i32
    %convert_element_type3A_202 = arith.extui %gt3A_201 : i1 to i32
    %cond3A_203 = arith.constant 0 : i32
    %cond3A_204 = arith.cmpi ne, %convert_element_type3A_202, %cond3A_203 : i32
    scf.if %cond3A_204 {
      %dma_start3A = arith.constant 10 : i32
      %dma_start3A_249 = arith.constant 10 : i32
      %dma_start3A_250 = arith.constant 0 : i32
      %dma_start3A_251 = arith.constant 0 : i32
      %dma_start3A_252 = tpu.memref_slice %arg12[%dma_start3A, %dma_start3A_250, %dma_start3A_251] : memref<16x16x128xf32, #tpu.memory_space<vmem>> -> memref<1x16x128xf32, #tpu.memory_space<vmem>>
      %dma_start3A_253 = tpu.memref_squeeze %dma_start3A_252 : memref<1x16x128xf32, #tpu.memory_space<vmem>> -> memref<16x128xf32, #tpu.memory_space<vmem>>
      %dma_start3A_254 = arith.constant 160 : i32
      %dma_start3A_255 = tpu.memref_slice %arg10[%dma_start3A_254] : memref<10016xi32, #tpu.memory_space<vmem>> -> memref<16xi32, #tpu.memory_space<vmem>>
      %dma_start3A_256 = arith.constant 0 : i32
      %dma_start3A_257 = arith.constant 0 : i32
      %dma_start3A_258 = tpu.memref_slice %arg3[%dma_start3A_256, %dma_start3A_257] : memref<10000x128xf32, #tpu.memory_space<hbm>> -> memref<10000x128xf32, #tpu.memory_space<hbm>>
      %dma_start3A_259 = tpu.memref_slice %arg16[%dma_start3A_249] : memref<16x!tpu.dma_semaphore, #tpu.memory_space<semaphore_mem>> -> memref<1x!tpu.dma_semaphore, #tpu.memory_space<semaphore_mem>>
      %dma_start3A_260 = tpu.memref_squeeze %dma_start3A_259 : memref<1x!tpu.dma_semaphore, #tpu.memory_space<semaphore_mem>> -> memref<!tpu.dma_semaphore, #tpu.memory_space<semaphore_mem>>
      tpu.enqueue_indirect_dma source(%dma_start3A_258 : memref<10000x128xf32, #tpu.memory_space<hbm>>) target(%dma_start3A_253 : memref<16x128xf32, #tpu.memory_space<vmem>>) offsets(%dma_start3A_255 : memref<16xi32, #tpu.memory_space<vmem>>) semaphore(%dma_start3A_260 : memref<!tpu.dma_semaphore, #tpu.memory_space<semaphore_mem>>)
    } else {
    }
    %gt3A_205 = arith.constant 11 : i32
    %gt3A_206 = arith.cmpi sgt, %select_n3A, %gt3A_205 : i32
    %convert_element_type3A_207 = arith.extui %gt3A_206 : i1 to i32
    %cond3A_208 = arith.constant 0 : i32
    %cond3A_209 = arith.cmpi ne, %convert_element_type3A_207, %cond3A_208 : i32
    scf.if %cond3A_209 {
      %dma_start3A = arith.constant 11 : i32
      %dma_start3A_249 = arith.constant 11 : i32
      %dma_start3A_250 = arith.constant 0 : i32
      %dma_start3A_251 = arith.constant 0 : i32
      %dma_start3A_252 = tpu.memref_slice %arg12[%dma_start3A, %dma_start3A_250, %dma_start3A_251] : memref<16x16x128xf32, #tpu.memory_space<vmem>> -> memref<1x16x128xf32, #tpu.memory_space<vmem>>
      %dma_start3A_253 = tpu.memref_squeeze %dma_start3A_252 : memref<1x16x128xf32, #tpu.memory_space<vmem>> -> memref<16x128xf32, #tpu.memory_space<vmem>>
      %dma_start3A_254 = arith.constant 176 : i32
      %dma_start3A_255 = tpu.memref_slice %arg10[%dma_start3A_254] : memref<10016xi32, #tpu.memory_space<vmem>> -> memref<16xi32, #tpu.memory_space<vmem>>
      %dma_start3A_256 = arith.constant 0 : i32
      %dma_start3A_257 = arith.constant 0 : i32
      %dma_start3A_258 = tpu.memref_slice %arg3[%dma_start3A_256, %dma_start3A_257] : memref<10000x128xf32, #tpu.memory_space<hbm>> -> memref<10000x128xf32, #tpu.memory_space<hbm>>
      %dma_start3A_259 = tpu.memref_slice %arg16[%dma_start3A_249] : memref<16x!tpu.dma_semaphore, #tpu.memory_space<semaphore_mem>> -> memref<1x!tpu.dma_semaphore, #tpu.memory_space<semaphore_mem>>
      %dma_start3A_260 = tpu.memref_squeeze %dma_start3A_259 : memref<1x!tpu.dma_semaphore, #tpu.memory_space<semaphore_mem>> -> memref<!tpu.dma_semaphore, #tpu.memory_space<semaphore_mem>>
      tpu.enqueue_indirect_dma source(%dma_start3A_258 : memref<10000x128xf32, #tpu.memory_space<hbm>>) target(%dma_start3A_253 : memref<16x128xf32, #tpu.memory_space<vmem>>) offsets(%dma_start3A_255 : memref<16xi32, #tpu.memory_space<vmem>>) semaphore(%dma_start3A_260 : memref<!tpu.dma_semaphore, #tpu.memory_space<semaphore_mem>>)
    } else {
    }
    %gt3A_210 = arith.constant 12 : i32
    %gt3A_211 = arith.cmpi sgt, %select_n3A, %gt3A_210 : i32
    %convert_element_type3A_212 = arith.extui %gt3A_211 : i1 to i32
    %cond3A_213 = arith.constant 0 : i32
    %cond3A_214 = arith.cmpi ne, %convert_element_type3A_212, %cond3A_213 : i32
    scf.if %cond3A_214 {
      %dma_start3A = arith.constant 12 : i32
      %dma_start3A_249 = arith.constant 12 : i32
      %dma_start3A_250 = arith.constant 0 : i32
      %dma_start3A_251 = arith.constant 0 : i32
      %dma_start3A_252 = tpu.memref_slice %arg12[%dma_start3A, %dma_start3A_250, %dma_start3A_251] : memref<16x16x128xf32, #tpu.memory_space<vmem>> -> memref<1x16x128xf32, #tpu.memory_space<vmem>>
      %dma_start3A_253 = tpu.memref_squeeze %dma_start3A_252 : memref<1x16x128xf32, #tpu.memory_space<vmem>> -> memref<16x128xf32, #tpu.memory_space<vmem>>
      %dma_start3A_254 = arith.constant 192 : i32
      %dma_start3A_255 = tpu.memref_slice %arg10[%dma_start3A_254] : memref<10016xi32, #tpu.memory_space<vmem>> -> memref<16xi32, #tpu.memory_space<vmem>>
      %dma_start3A_256 = arith.constant 0 : i32
      %dma_start3A_257 = arith.constant 0 : i32
      %dma_start3A_258 = tpu.memref_slice %arg3[%dma_start3A_256, %dma_start3A_257] : memref<10000x128xf32, #tpu.memory_space<hbm>> -> memref<10000x128xf32, #tpu.memory_space<hbm>>
      %dma_start3A_259 = tpu.memref_slice %arg16[%dma_start3A_249] : memref<16x!tpu.dma_semaphore, #tpu.memory_space<semaphore_mem>> -> memref<1x!tpu.dma_semaphore, #tpu.memory_space<semaphore_mem>>
      %dma_start3A_260 = tpu.memref_squeeze %dma_start3A_259 : memref<1x!tpu.dma_semaphore, #tpu.memory_space<semaphore_mem>> -> memref<!tpu.dma_semaphore, #tpu.memory_space<semaphore_mem>>
      tpu.enqueue_indirect_dma source(%dma_start3A_258 : memref<10000x128xf32, #tpu.memory_space<hbm>>) target(%dma_start3A_253 : memref<16x128xf32, #tpu.memory_space<vmem>>) offsets(%dma_start3A_255 : memref<16xi32, #tpu.memory_space<vmem>>) semaphore(%dma_start3A_260 : memref<!tpu.dma_semaphore, #tpu.memory_space<semaphore_mem>>)
    } else {
    }
    %gt3A_215 = arith.constant 13 : i32
    %gt3A_216 = arith.cmpi sgt, %select_n3A, %gt3A_215 : i32
    %convert_element_type3A_217 = arith.extui %gt3A_216 : i1 to i32
    %cond3A_218 = arith.constant 0 : i32
    %cond3A_219 = arith.cmpi ne, %convert_element_type3A_217, %cond3A_218 : i32
    scf.if %cond3A_219 {
      %dma_start3A = arith.constant 13 : i32
      %dma_start3A_249 = arith.constant 13 : i32
      %dma_start3A_250 = arith.constant 0 : i32
      %dma_start3A_251 = arith.constant 0 : i32
      %dma_start3A_252 = tpu.memref_slice %arg12[%dma_start3A, %dma_start3A_250, %dma_start3A_251] : memref<16x16x128xf32, #tpu.memory_space<vmem>> -> memref<1x16x128xf32, #tpu.memory_space<vmem>>
      %dma_start3A_253 = tpu.memref_squeeze %dma_start3A_252 : memref<1x16x128xf32, #tpu.memory_space<vmem>> -> memref<16x128xf32, #tpu.memory_space<vmem>>
      %dma_start3A_254 = arith.constant 208 : i32
      %dma_start3A_255 = tpu.memref_slice %arg10[%dma_start3A_254] : memref<10016xi32, #tpu.memory_space<vmem>> -> memref<16xi32, #tpu.memory_space<vmem>>
      %dma_start3A_256 = arith.constant 0 : i32
      %dma_start3A_257 = arith.constant 0 : i32
      %dma_start3A_258 = tpu.memref_slice %arg3[%dma_start3A_256, %dma_start3A_257] : memref<10000x128xf32, #tpu.memory_space<hbm>> -> memref<10000x128xf32, #tpu.memory_space<hbm>>
      %dma_start3A_259 = tpu.memref_slice %arg16[%dma_start3A_249] : memref<16x!tpu.dma_semaphore, #tpu.memory_space<semaphore_mem>> -> memref<1x!tpu.dma_semaphore, #tpu.memory_space<semaphore_mem>>
      %dma_start3A_260 = tpu.memref_squeeze %dma_start3A_259 : memref<1x!tpu.dma_semaphore, #tpu.memory_space<semaphore_mem>> -> memref<!tpu.dma_semaphore, #tpu.memory_space<semaphore_mem>>
      tpu.enqueue_indirect_dma source(%dma_start3A_258 : memref<10000x128xf32, #tpu.memory_space<hbm>>) target(%dma_start3A_253 : memref<16x128xf32, #tpu.memory_space<vmem>>) offsets(%dma_start3A_255 : memref<16xi32, #tpu.memory_space<vmem>>) semaphore(%dma_start3A_260 : memref<!tpu.dma_semaphore, #tpu.memory_space<semaphore_mem>>)
    } else {
    }
    %gt3A_220 = arith.constant 14 : i32
    %gt3A_221 = arith.cmpi sgt, %select_n3A, %gt3A_220 : i32
    %convert_element_type3A_222 = arith.extui %gt3A_221 : i1 to i32
    %cond3A_223 = arith.constant 0 : i32
    %cond3A_224 = arith.cmpi ne, %convert_element_type3A_222, %cond3A_223 : i32
    scf.if %cond3A_224 {
      %dma_start3A = arith.constant 14 : i32
      %dma_start3A_249 = arith.constant 14 : i32
      %dma_start3A_250 = arith.constant 0 : i32
      %dma_start3A_251 = arith.constant 0 : i32
      %dma_start3A_252 = tpu.memref_slice %arg12[%dma_start3A, %dma_start3A_250, %dma_start3A_251] : memref<16x16x128xf32, #tpu.memory_space<vmem>> -> memref<1x16x128xf32, #tpu.memory_space<vmem>>
      %dma_start3A_253 = tpu.memref_squeeze %dma_start3A_252 : memref<1x16x128xf32, #tpu.memory_space<vmem>> -> memref<16x128xf32, #tpu.memory_space<vmem>>
      %dma_start3A_254 = arith.constant 224 : i32
      %dma_start3A_255 = tpu.memref_slice %arg10[%dma_start3A_254] : memref<10016xi32, #tpu.memory_space<vmem>> -> memref<16xi32, #tpu.memory_space<vmem>>
      %dma_start3A_256 = arith.constant 0 : i32
      %dma_start3A_257 = arith.constant 0 : i32
      %dma_start3A_258 = tpu.memref_slice %arg3[%dma_start3A_256, %dma_start3A_257] : memref<10000x128xf32, #tpu.memory_space<hbm>> -> memref<10000x128xf32, #tpu.memory_space<hbm>>
      %dma_start3A_259 = tpu.memref_slice %arg16[%dma_start3A_249] : memref<16x!tpu.dma_semaphore, #tpu.memory_space<semaphore_mem>> -> memref<1x!tpu.dma_semaphore, #tpu.memory_space<semaphore_mem>>
      %dma_start3A_260 = tpu.memref_squeeze %dma_start3A_259 : memref<1x!tpu.dma_semaphore, #tpu.memory_space<semaphore_mem>> -> memref<!tpu.dma_semaphore, #tpu.memory_space<semaphore_mem>>
      tpu.enqueue_indirect_dma source(%dma_start3A_258 : memref<10000x128xf32, #tpu.memory_space<hbm>>) target(%dma_start3A_253 : memref<16x128xf32, #tpu.memory_space<vmem>>) offsets(%dma_start3A_255 : memref<16xi32, #tpu.memory_space<vmem>>) semaphore(%dma_start3A_260 : memref<!tpu.dma_semaphore, #tpu.memory_space<semaphore_mem>>)
    } else {
    }
    %gt3A_225 = arith.constant 15 : i32
    %gt3A_226 = arith.cmpi sgt, %select_n3A, %gt3A_225 : i32
    %convert_element_type3A_227 = arith.extui %gt3A_226 : i1 to i32
    %cond3A_228 = arith.constant 0 : i32
    %cond3A_229 = arith.cmpi ne, %convert_element_type3A_227, %cond3A_228 : i32
    scf.if %cond3A_229 {
      %dma_start3A = arith.constant 15 : i32
      %dma_start3A_249 = arith.constant 15 : i32
      %dma_start3A_250 = arith.constant 0 : i32
      %dma_start3A_251 = arith.constant 0 : i32
      %dma_start3A_252 = tpu.memref_slice %arg12[%dma_start3A, %dma_start3A_250, %dma_start3A_251] : memref<16x16x128xf32, #tpu.memory_space<vmem>> -> memref<1x16x128xf32, #tpu.memory_space<vmem>>
      %dma_start3A_253 = tpu.memref_squeeze %dma_start3A_252 : memref<1x16x128xf32, #tpu.memory_space<vmem>> -> memref<16x128xf32, #tpu.memory_space<vmem>>
      %dma_start3A_254 = arith.constant 240 : i32
      %dma_start3A_255 = tpu.memref_slice %arg10[%dma_start3A_254] : memref<10016xi32, #tpu.memory_space<vmem>> -> memref<16xi32, #tpu.memory_space<vmem>>
      %dma_start3A_256 = arith.constant 0 : i32
      %dma_start3A_257 = arith.constant 0 : i32
      %dma_start3A_258 = tpu.memref_slice %arg3[%dma_start3A_256, %dma_start3A_257] : memref<10000x128xf32, #tpu.memory_space<hbm>> -> memref<10000x128xf32, #tpu.memory_space<hbm>>
      %dma_start3A_259 = tpu.memref_slice %arg16[%dma_start3A_249] : memref<16x!tpu.dma_semaphore, #tpu.memory_space<semaphore_mem>> -> memref<1x!tpu.dma_semaphore, #tpu.memory_space<semaphore_mem>>
      %dma_start3A_260 = tpu.memref_squeeze %dma_start3A_259 : memref<1x!tpu.dma_semaphore, #tpu.memory_space<semaphore_mem>> -> memref<!tpu.dma_semaphore, #tpu.memory_space<semaphore_mem>>
      tpu.enqueue_indirect_dma source(%dma_start3A_258 : memref<10000x128xf32, #tpu.memory_space<hbm>>) target(%dma_start3A_253 : memref<16x128xf32, #tpu.memory_space<vmem>>) offsets(%dma_start3A_255 : memref<16xi32, #tpu.memory_space<vmem>>) semaphore(%dma_start3A_260 : memref<!tpu.dma_semaphore, #tpu.memory_space<semaphore_mem>>)
    } else {
    }
    %while3A = arith.constant 0 : i32
    %while3A_230 = arith.constant 0 : i32
    %while3A_231 = arith.subi %select_n3A, %while3A : i32
    %while3A_232 = arith.addi %while3A, %while3A_231 : i32
    %while3A_233 = arith.constant 1 : i32
    %while3A_234 = arith.divsi %while3A_231, %while3A_233 : i32
    %while3A_235 = arith.muli %while3A_234, %while3A_233 : i32
    %while3A_236 = arith.addi %while3A, %while3A_235 : i32
    %while3A_237 = arith.constant 1 : i32
    %while3A_238 = scf.for %while3A_249 = %while3A to %while3A_236 step %while3A_237 iter_args(%while3A_250 = %while3A_230) -> (i32)  : i32 {
      %jit3A_251 = arith.constant 16 : i32
      %eq3A = arith.constant 0 : i32
      %eq3A_252 = arith.cmpi eq, %jit3A_251, %eq3A : i32
      %jit3A_253 = arith.constant 1 : i32
      %select_n3A_254 = arith.select %eq3A_252, %jit3A_253, %jit3A_251 : i32
      %rem3A_255 = arith.remsi %while3A_249, %select_n3A_254 : i32
      %ne3A_256 = arith.constant 0 : i32
      %ne3A_257 = arith.cmpi ne, %rem3A_255, %ne3A_256 : i32
      %lt3A = arith.constant 0 : i32
      %lt3A_258 = arith.cmpi slt, %rem3A_255, %lt3A : i32
      %lt3A_259 = arith.constant 0 : i32
      %lt3A_260 = arith.cmpi slt, %select_n3A_254, %lt3A_259 : i32
      %ne3A_261 = arith.xori %lt3A_258, %lt3A_260 : i1
      %and3A_262 = arith.andi %ne3A_261, %ne3A_257 : i1
      %add3A_263 = arith.addi %rem3A_255, %select_n3A_254 : i32
      %select_n3A_264 = arith.select %and3A_262, %add3A_263, %rem3A_255 : i32
      %dma_wait3A = arith.constant 0 : i32
      %dma_wait3A_265 = arith.constant 0 : i32
      %dma_wait3A_266 = tpu.memref_slice %arg12[%select_n3A_264, %dma_wait3A, %dma_wait3A_265] : memref<16x16x128xf32, #tpu.memory_space<vmem>> -> memref<1x16x128xf32, #tpu.memory_space<vmem>>
      %dma_wait3A_267 = tpu.memref_squeeze %dma_wait3A_266 : memref<1x16x128xf32, #tpu.memory_space<vmem>> -> memref<16x128xf32, #tpu.memory_space<vmem>>
      %dma_wait3A_268 = arith.constant 0 : i32
      %dma_wait3A_269 = arith.constant 0 : i32
      %dma_wait3A_270 = tpu.memref_slice %arg3[%dma_wait3A_268, %dma_wait3A_269] : memref<10000x128xf32, #tpu.memory_space<hbm>> -> memref<16x128xf32, #tpu.memory_space<hbm>>
      %dma_wait3A_271 = tpu.memref_slice %arg16[%select_n3A_264] : memref<16x!tpu.dma_semaphore, #tpu.memory_space<semaphore_mem>> -> memref<1x!tpu.dma_semaphore, #tpu.memory_space<semaphore_mem>>
      %dma_wait3A_272 = tpu.memref_squeeze %dma_wait3A_271 : memref<1x!tpu.dma_semaphore, #tpu.memory_space<semaphore_mem>> -> memref<!tpu.dma_semaphore, #tpu.memory_space<semaphore_mem>>
      %dma_wait3A_273 = arith.constant 0 : i32
      %dma_wait3A_274 = arith.constant 0 : i32
      %dma_wait3A_275 = tpu.memref_slice %arg12[%select_n3A_264, %dma_wait3A_273, %dma_wait3A_274] : memref<16x16x128xf32, #tpu.memory_space<vmem>> -> memref<1x16x128xf32, #tpu.memory_space<vmem>>
      %dma_wait3A_276 = tpu.memref_squeeze %dma_wait3A_275 : memref<1x16x128xf32, #tpu.memory_space<vmem>> -> memref<16x128xf32, #tpu.memory_space<vmem>>
      %dma_wait3A_277 = arith.constant 0 : i32
      %dma_wait3A_278 = arith.constant 0 : i32
      %dma_wait3A_279 = tpu.memref_slice %arg3[%dma_wait3A_277, %dma_wait3A_278] : memref<10000x128xf32, #tpu.memory_space<hbm>> -> memref<16x128xf32, #tpu.memory_space<hbm>>
      tpu.wait_dma2 semaphore(%dma_wait3A_272 : memref<!tpu.dma_semaphore, #tpu.memory_space<semaphore_mem>>) src(%dma_wait3A_279 : memref<16x128xf32, #tpu.memory_space<hbm>>) dst(%dma_wait3A_276 : memref<16x128xf32, #tpu.memory_space<vmem>>)
      %mul3A_280 = arith.constant 16 : i32
      %mul3A_281 = arith.muli %while3A_249, %mul3A_280 : i32
      %add3A_282 = arith.constant 0 : i32
      %add3A_283 = arith.addi %mul3A_281, %add3A_282 : i32
      %get3A = arith.index_cast %add3A_283 : i32 to index
      %get3A_284 = tpu.vector_load %arg11[%get3A] {strides = array<i32>} : memref<10016xi32, #tpu.memory_space<vmem>>, vector<16xi32>,
      "tpu.region"() ({
        %run_scoped3A = tpu.sem_alloc : memref<!tpu.dma_semaphore, #tpu.memory_space<semaphore_mem>>
        %dma_start3A = arith.constant 0 : i32
        %dma_start3A_292 = arith.constant 0 : i32
        %dma_start3A_293 = tpu.memref_slice %arg12[%select_n3A_264, %dma_start3A, %dma_start3A_292] : memref<16x16x128xf32, #tpu.memory_space<vmem>> -> memref<1x16x128xf32, #tpu.memory_space<vmem>>
        %dma_start3A_294 = tpu.memref_squeeze %dma_start3A_293 : memref<1x16x128xf32, #tpu.memory_space<vmem>> -> memref<16x128xf32, #tpu.memory_space<vmem>>
        %dma_start3A_295 = arith.constant 0 : i32
        %dma_start3A_296 = arith.constant 0 : i32
        %dma_start3A_297 = tpu.memref_slice %arg14[%dma_start3A_295, %dma_start3A_296] : memref<1024x128xf32, #tpu.memory_space<vmem_shared>> -> memref<1024x128xf32, #tpu.memory_space<vmem_shared>>
        tpu.enqueue_indirect_dma source(%dma_start3A_294 : memref<16x128xf32, #tpu.memory_space<vmem>>) target(%dma_start3A_297 : memref<1024x128xf32, #tpu.memory_space<vmem_shared>>) offsets(%get3A_284 : vector<16xi32>) semaphore(%run_scoped3A : memref<!tpu.dma_semaphore, #tpu.memory_space<semaphore_mem>>) {add = true}
        %dma_wait3A_298 = arith.constant 0 : i32
        %dma_wait3A_299 = arith.constant 0 : i32
        %dma_wait3A_300 = tpu.memref_slice %arg12[%select_n3A_264, %dma_wait3A_298, %dma_wait3A_299] : memref<16x16x128xf32, #tpu.memory_space<vmem>> -> memref<1x16x128xf32, #tpu.memory_space<vmem>>
        %dma_wait3A_301 = tpu.memref_squeeze %dma_wait3A_300 : memref<1x16x128xf32, #tpu.memory_space<vmem>> -> memref<16x128xf32, #tpu.memory_space<vmem>>
        %dma_wait3A_302 = arith.constant 0 : i32
        %dma_wait3A_303 = arith.constant 0 : i32
        %dma_wait3A_304 = tpu.memref_slice %arg14[%dma_wait3A_302, %dma_wait3A_303] : memref<1024x128xf32, #tpu.memory_space<vmem_shared>> -> memref<1024x128xf32, #tpu.memory_space<vmem_shared>>
        tpu.wait_indirect_dma semaphore(%run_scoped3A : memref<!tpu.dma_semaphore, #tpu.memory_space<semaphore_mem>>) src(%dma_wait3A_301 : memref<16x128xf32, #tpu.memory_space<vmem>>) dst(%dma_wait3A_304 : memref<1024x128xf32, #tpu.memory_space<vmem_shared>>)
        tpu.yield
      }) : () -> ()
      "tpu.region"() ({
        %run_scoped3A = tpu.sem_alloc : memref<!tpu.dma_semaphore, #tpu.memory_space<semaphore_mem>>
        %dma_start3A = arith.constant 0 : i32
        %dma_start3A_292 = arith.constant 0 : i32
        %dma_start3A_293 = tpu.memref_slice %arg13[%dma_start3A, %dma_start3A_292] : memref<16x16xf32, #tpu.memory_space<vmem>> -> memref<16x16xf32, #tpu.memory_space<vmem>>
        %dma_start3A_294 = arith.constant 0 : i32
        %dma_start3A_295 = arith.constant 0 : i32
        %dma_start3A_296 = tpu.memref_slice %arg15[%dma_start3A_294, %dma_start3A_295] : memref<1024x16xf32, #tpu.memory_space<vmem_shared>> -> memref<1024x16xf32, #tpu.memory_space<vmem_shared>>
        tpu.enqueue_indirect_dma source(%dma_start3A_293 : memref<16x16xf32, #tpu.memory_space<vmem>>) target(%dma_start3A_296 : memref<1024x16xf32, #tpu.memory_space<vmem_shared>>) offsets(%get3A_284 : vector<16xi32>) semaphore(%run_scoped3A : memref<!tpu.dma_semaphore, #tpu.memory_space<semaphore_mem>>) {add = true}
        %dma_wait3A_297 = arith.constant 0 : i32
        %dma_wait3A_298 = arith.constant 0 : i32
        %dma_wait3A_299 = tpu.memref_slice %arg13[%dma_wait3A_297, %dma_wait3A_298] : memref<16x16xf32, #tpu.memory_space<vmem>> -> memref<16x16xf32, #tpu.memory_space<vmem>>
        %dma_wait3A_300 = arith.constant 0 : i32
        %dma_wait3A_301 = arith.constant 0 : i32
        %dma_wait3A_302 = tpu.memref_slice %arg15[%dma_wait3A_300, %dma_wait3A_301] : memref<1024x16xf32, #tpu.memory_space<vmem_shared>> -> memref<1024x16xf32, #tpu.memory_space<vmem_shared>>
        tpu.wait_indirect_dma semaphore(%run_scoped3A : memref<!tpu.dma_semaphore, #tpu.memory_space<semaphore_mem>>) src(%dma_wait3A_299 : memref<16x16xf32, #tpu.memory_space<vmem>>) dst(%dma_wait3A_302 : memref<1024x16xf32, #tpu.memory_space<vmem_shared>>)
        tpu.yield
      }) : () -> ()
      %add3A_285 = arith.constant 16 : i32
      %add3A_286 = arith.addi %while3A_249, %add3A_285 : i32
      %lt3A_287 = arith.cmpi slt, %add3A_286, %select_n3A : i32
      %convert_element_type3A_288 = arith.extui %lt3A_287 : i1 to i32
      %cond3A_289 = arith.constant 0 : i32
      %cond3A_290 = arith.cmpi ne, %convert_element_type3A_288, %cond3A_289 : i32
      scf.if %cond3A_290 {
        %add3A_292 = arith.constant 16 : i32
        %add3A_293 = arith.addi %while3A_249, %add3A_292 : i32
        %jit3A_294 = arith.constant 16 : i32
        %eq3A_295 = arith.constant 0 : i32
        %eq3A_296 = arith.cmpi eq, %jit3A_294, %eq3A_295 : i32
        %jit3A_297 = arith.constant 1 : i32
        %select_n3A_298 = arith.select %eq3A_296, %jit3A_297, %jit3A_294 : i32
        %rem3A_299 = arith.remsi %add3A_293, %select_n3A_298 : i32
        %ne3A_300 = arith.constant 0 : i32
        %ne3A_301 = arith.cmpi ne, %rem3A_299, %ne3A_300 : i32
        %lt3A_302 = arith.constant 0 : i32
        %lt3A_303 = arith.cmpi slt, %rem3A_299, %lt3A_302 : i32
        %lt3A_304 = arith.constant 0 : i32
        %lt3A_305 = arith.cmpi slt, %select_n3A_298, %lt3A_304 : i32
        %ne3A_306 = arith.xori %lt3A_303, %lt3A_305 : i1
        %and3A_307 = arith.andi %ne3A_306, %ne3A_301 : i1
        %add3A_308 = arith.addi %rem3A_299, %select_n3A_298 : i32
        %select_n3A_309 = arith.select %and3A_307, %add3A_308, %rem3A_299 : i32
        %mul3A_310 = arith.constant 16 : i32
        %mul3A_311 = arith.muli %add3A_293, %mul3A_310 : i32
        %dma_start3A = arith.constant 0 : i32
        %dma_start3A_312 = arith.constant 0 : i32
        %dma_start3A_313 = tpu.memref_slice %arg12[%select_n3A_309, %dma_start3A, %dma_start3A_312] : memref<16x16x128xf32, #tpu.memory_space<vmem>> -> memref<1x16x128xf32, #tpu.memory_space<vmem>>
        %dma_start3A_314 = tpu.memref_squeeze %dma_start3A_313 : memref<1x16x128xf32, #tpu.memory_space<vmem>> -> memref<16x128xf32, #tpu.memory_space<vmem>>
        %dma_start3A_315 = tpu.memref_slice %arg10[%mul3A_311] : memref<10016xi32, #tpu.memory_space<vmem>> -> memref<16xi32, #tpu.memory_space<vmem>>
        %dma_start3A_316 = arith.constant 0 : i32
        %dma_start3A_317 = arith.constant 0 : i32
        %dma_start3A_318 = tpu.memref_slice %arg3[%dma_start3A_316, %dma_start3A_317] : memref<10000x128xf32, #tpu.memory_space<hbm>> -> memref<10000x128xf32, #tpu.memory_space<hbm>>
        %dma_start3A_319 = tpu.memref_slice %arg16[%select_n3A_309] : memref<16x!tpu.dma_semaphore, #tpu.memory_space<semaphore_mem>> -> memref<1x!tpu.dma_semaphore, #tpu.memory_space<semaphore_mem>>
        %dma_start3A_320 = tpu.memref_squeeze %dma_start3A_319 : memref<1x!tpu.dma_semaphore, #tpu.memory_space<semaphore_mem>> -> memref<!tpu.dma_semaphore, #tpu.memory_space<semaphore_mem>>
        tpu.enqueue_indirect_dma source(%dma_start3A_318 : memref<10000x128xf32, #tpu.memory_space<hbm>>) target(%dma_start3A_314 : memref<16x128xf32, #tpu.memory_space<vmem>>) offsets(%dma_start3A_315 : memref<16xi32, #tpu.memory_space<vmem>>) semaphore(%dma_start3A_320 : memref<!tpu.dma_semaphore, #tpu.memory_space<semaphore_mem>>)
      } else {
      }
      %while3A_291 = arith.constant 0 : i32
      scf.yield %while3A_291 : i32
    }
    %while3A_239 = arith.constant 1 : i32
    %while3A_240 = scf.for %while3A_249 = %while3A_236 to %while3A_232 step %while3A_239 iter_args(%while3A_250 = %while3A_238) -> (i32)  : i32 {
      %jit3A_251 = arith.constant 16 : i32
      %eq3A = arith.constant 0 : i32
      %eq3A_252 = arith.cmpi eq, %jit3A_251, %eq3A : i32
      %jit3A_253 = arith.constant 1 : i32
      %select_n3A_254 = arith.select %eq3A_252, %jit3A_253, %jit3A_251 : i32
      %rem3A_255 = arith.remsi %while3A_249, %select_n3A_254 : i32
      %ne3A_256 = arith.constant 0 : i32
      %ne3A_257 = arith.cmpi ne, %rem3A_255, %ne3A_256 : i32
      %lt3A = arith.constant 0 : i32
      %lt3A_258 = arith.cmpi slt, %rem3A_255, %lt3A : i32
      %lt3A_259 = arith.constant 0 : i32
      %lt3A_260 = arith.cmpi slt, %select_n3A_254, %lt3A_259 : i32
      %ne3A_261 = arith.xori %lt3A_258, %lt3A_260 : i1
      %and3A_262 = arith.andi %ne3A_261, %ne3A_257 : i1
      %add3A_263 = arith.addi %rem3A_255, %select_n3A_254 : i32
      %select_n3A_264 = arith.select %and3A_262, %add3A_263, %rem3A_255 : i32
      %dma_wait3A = arith.constant 0 : i32
      %dma_wait3A_265 = arith.constant 0 : i32
      %dma_wait3A_266 = tpu.memref_slice %arg12[%select_n3A_264, %dma_wait3A, %dma_wait3A_265] : memref<16x16x128xf32, #tpu.memory_space<vmem>> -> memref<1x16x128xf32, #tpu.memory_space<vmem>>
      %dma_wait3A_267 = tpu.memref_squeeze %dma_wait3A_266 : memref<1x16x128xf32, #tpu.memory_space<vmem>> -> memref<16x128xf32, #tpu.memory_space<vmem>>
      %dma_wait3A_268 = arith.constant 0 : i32
      %dma_wait3A_269 = arith.constant 0 : i32
      %dma_wait3A_270 = tpu.memref_slice %arg3[%dma_wait3A_268, %dma_wait3A_269] : memref<10000x128xf32, #tpu.memory_space<hbm>> -> memref<16x128xf32, #tpu.memory_space<hbm>>
      %dma_wait3A_271 = tpu.memref_slice %arg16[%select_n3A_264] : memref<16x!tpu.dma_semaphore, #tpu.memory_space<semaphore_mem>> -> memref<1x!tpu.dma_semaphore, #tpu.memory_space<semaphore_mem>>
      %dma_wait3A_272 = tpu.memref_squeeze %dma_wait3A_271 : memref<1x!tpu.dma_semaphore, #tpu.memory_space<semaphore_mem>> -> memref<!tpu.dma_semaphore, #tpu.memory_space<semaphore_mem>>
      %dma_wait3A_273 = arith.constant 0 : i32
      %dma_wait3A_274 = arith.constant 0 : i32
      %dma_wait3A_275 = tpu.memref_slice %arg12[%select_n3A_264, %dma_wait3A_273, %dma_wait3A_274] : memref<16x16x128xf32, #tpu.memory_space<vmem>> -> memref<1x16x128xf32, #tpu.memory_space<vmem>>
      %dma_wait3A_276 = tpu.memref_squeeze %dma_wait3A_275 : memref<1x16x128xf32, #tpu.memory_space<vmem>> -> memref<16x128xf32, #tpu.memory_space<vmem>>
      %dma_wait3A_277 = arith.constant 0 : i32
      %dma_wait3A_278 = arith.constant 0 : i32
      %dma_wait3A_279 = tpu.memref_slice %arg3[%dma_wait3A_277, %dma_wait3A_278] : memref<10000x128xf32, #tpu.memory_space<hbm>> -> memref<16x128xf32, #tpu.memory_space<hbm>>
      tpu.wait_dma2 semaphore(%dma_wait3A_272 : memref<!tpu.dma_semaphore, #tpu.memory_space<semaphore_mem>>) src(%dma_wait3A_279 : memref<16x128xf32, #tpu.memory_space<hbm>>) dst(%dma_wait3A_276 : memref<16x128xf32, #tpu.memory_space<vmem>>)
      %mul3A_280 = arith.constant 16 : i32
      %mul3A_281 = arith.muli %while3A_249, %mul3A_280 : i32
      %add3A_282 = arith.constant 0 : i32
      %add3A_283 = arith.addi %mul3A_281, %add3A_282 : i32
      %get3A = arith.index_cast %add3A_283 : i32 to index
      %get3A_284 = tpu.vector_load %arg11[%get3A] {strides = array<i32>} : memref<10016xi32, #tpu.memory_space<vmem>>, vector<16xi32>,
      "tpu.region"() ({
        %run_scoped3A = tpu.sem_alloc : memref<!tpu.dma_semaphore, #tpu.memory_space<semaphore_mem>>
        %dma_start3A = arith.constant 0 : i32
        %dma_start3A_292 = arith.constant 0 : i32
        %dma_start3A_293 = tpu.memref_slice %arg12[%select_n3A_264, %dma_start3A, %dma_start3A_292] : memref<16x16x128xf32, #tpu.memory_space<vmem>> -> memref<1x16x128xf32, #tpu.memory_space<vmem>>
        %dma_start3A_294 = tpu.memref_squeeze %dma_start3A_293 : memref<1x16x128xf32, #tpu.memory_space<vmem>> -> memref<16x128xf32, #tpu.memory_space<vmem>>
        %dma_start3A_295 = arith.constant 0 : i32
        %dma_start3A_296 = arith.constant 0 : i32
        %dma_start3A_297 = tpu.memref_slice %arg14[%dma_start3A_295, %dma_start3A_296] : memref<1024x128xf32, #tpu.memory_space<vmem_shared>> -> memref<1024x128xf32, #tpu.memory_space<vmem_shared>>
        tpu.enqueue_indirect_dma source(%dma_start3A_294 : memref<16x128xf32, #tpu.memory_space<vmem>>) target(%dma_start3A_297 : memref<1024x128xf32, #tpu.memory_space<vmem_shared>>) offsets(%get3A_284 : vector<16xi32>) semaphore(%run_scoped3A : memref<!tpu.dma_semaphore, #tpu.memory_space<semaphore_mem>>) {add = true}
        %dma_wait3A_298 = arith.constant 0 : i32
        %dma_wait3A_299 = arith.constant 0 : i32
        %dma_wait3A_300 = tpu.memref_slice %arg12[%select_n3A_264, %dma_wait3A_298, %dma_wait3A_299] : memref<16x16x128xf32, #tpu.memory_space<vmem>> -> memref<1x16x128xf32, #tpu.memory_space<vmem>>
        %dma_wait3A_301 = tpu.memref_squeeze %dma_wait3A_300 : memref<1x16x128xf32, #tpu.memory_space<vmem>> -> memref<16x128xf32, #tpu.memory_space<vmem>>
        %dma_wait3A_302 = arith.constant 0 : i32
        %dma_wait3A_303 = arith.constant 0 : i32
        %dma_wait3A_304 = tpu.memref_slice %arg14[%dma_wait3A_302, %dma_wait3A_303] : memref<1024x128xf32, #tpu.memory_space<vmem_shared>> -> memref<1024x128xf32, #tpu.memory_space<vmem_shared>>
        tpu.wait_indirect_dma semaphore(%run_scoped3A : memref<!tpu.dma_semaphore, #tpu.memory_space<semaphore_mem>>) src(%dma_wait3A_301 : memref<16x128xf32, #tpu.memory_space<vmem>>) dst(%dma_wait3A_304 : memref<1024x128xf32, #tpu.memory_space<vmem_shared>>)
        tpu.yield
      }) : () -> ()
      "tpu.region"() ({
        %run_scoped3A = tpu.sem_alloc : memref<!tpu.dma_semaphore, #tpu.memory_space<semaphore_mem>>
        %dma_start3A = arith.constant 0 : i32
        %dma_start3A_292 = arith.constant 0 : i32
        %dma_start3A_293 = tpu.memref_slice %arg13[%dma_start3A, %dma_start3A_292] : memref<16x16xf32, #tpu.memory_space<vmem>> -> memref<16x16xf32, #tpu.memory_space<vmem>>
        %dma_start3A_294 = arith.constant 0 : i32
        %dma_start3A_295 = arith.constant 0 : i32
        %dma_start3A_296 = tpu.memref_slice %arg15[%dma_start3A_294, %dma_start3A_295] : memref<1024x16xf32, #tpu.memory_space<vmem_shared>> -> memref<1024x16xf32, #tpu.memory_space<vmem_shared>>
        tpu.enqueue_indirect_dma source(%dma_start3A_293 : memref<16x16xf32, #tpu.memory_space<vmem>>) target(%dma_start3A_296 : memref<1024x16xf32, #tpu.memory_space<vmem_shared>>) offsets(%get3A_284 : vector<16xi32>) semaphore(%run_scoped3A : memref<!tpu.dma_semaphore, #tpu.memory_space<semaphore_mem>>) {add = true}
        %dma_wait3A_297 = arith.constant 0 : i32
        %dma_wait3A_298 = arith.constant 0 : i32
        %dma_wait3A_299 = tpu.memref_slice %arg13[%dma_wait3A_297, %dma_wait3A_298] : memref<16x16xf32, #tpu.memory_space<vmem>> -> memref<16x16xf32, #tpu.memory_space<vmem>>
        %dma_wait3A_300 = arith.constant 0 : i32
        %dma_wait3A_301 = arith.constant 0 : i32
        %dma_wait3A_302 = tpu.memref_slice %arg15[%dma_wait3A_300, %dma_wait3A_301] : memref<1024x16xf32, #tpu.memory_space<vmem_shared>> -> memref<1024x16xf32, #tpu.memory_space<vmem_shared>>
        tpu.wait_indirect_dma semaphore(%run_scoped3A : memref<!tpu.dma_semaphore, #tpu.memory_space<semaphore_mem>>) src(%dma_wait3A_299 : memref<16x16xf32, #tpu.memory_space<vmem>>) dst(%dma_wait3A_302 : memref<1024x16xf32, #tpu.memory_space<vmem_shared>>)
        tpu.yield
      }) : () -> ()
      %add3A_285 = arith.constant 16 : i32
      %add3A_286 = arith.addi %while3A_249, %add3A_285 : i32
      %lt3A_287 = arith.cmpi slt, %add3A_286, %select_n3A : i32
      %convert_element_type3A_288 = arith.extui %lt3A_287 : i1 to i32
      %cond3A_289 = arith.constant 0 : i32
      %cond3A_290 = arith.cmpi ne, %convert_element_type3A_288, %cond3A_289 : i32
      scf.if %cond3A_290 {
        %add3A_292 = arith.constant 16 : i32
        %add3A_293 = arith.addi %while3A_249, %add3A_292 : i32
        %jit3A_294 = arith.constant 16 : i32
        %eq3A_295 = arith.constant 0 : i32
        %eq3A_296 = arith.cmpi eq, %jit3A_294, %eq3A_295 : i32
        %jit3A_297 = arith.constant 1 : i32
        %select_n3A_298 = arith.select %eq3A_296, %jit3A_297, %jit3A_294 : i32
        %rem3A_299 = arith.remsi %add3A_293, %select_n3A_298 : i32
        %ne3A_300 = arith.constant 0 : i32
        %ne3A_301 = arith.cmpi ne, %rem3A_299, %ne3A_300 : i32
        %lt3A_302 = arith.constant 0 : i32
        %lt3A_303 = arith.cmpi slt, %rem3A_299, %lt3A_302 : i32
        %lt3A_304 = arith.constant 0 : i32
        %lt3A_305 = arith.cmpi slt, %select_n3A_298, %lt3A_304 : i32
        %ne3A_306 = arith.xori %lt3A_303, %lt3A_305 : i1
        %and3A_307 = arith.andi %ne3A_306, %ne3A_301 : i1
        %add3A_308 = arith.addi %rem3A_299, %select_n3A_298 : i32
        %select_n3A_309 = arith.select %and3A_307, %add3A_308, %rem3A_299 : i32
        %mul3A_310 = arith.constant 16 : i32
        %mul3A_311 = arith.muli %add3A_293, %mul3A_310 : i32
        %dma_start3A = arith.constant 0 : i32
        %dma_start3A_312 = arith.constant 0 : i32
        %dma_start3A_313 = tpu.memref_slice %arg12[%select_n3A_309, %dma_start3A, %dma_start3A_312] : memref<16x16x128xf32, #tpu.memory_space<vmem>> -> memref<1x16x128xf32, #tpu.memory_space<vmem>>
        %dma_start3A_314 = tpu.memref_squeeze %dma_start3A_313 : memref<1x16x128xf32, #tpu.memory_space<vmem>> -> memref<16x128xf32, #tpu.memory_space<vmem>>
        %dma_start3A_315 = tpu.memref_slice %arg10[%mul3A_311] : memref<10016xi32, #tpu.memory_space<vmem>> -> memref<16xi32, #tpu.memory_space<vmem>>
        %dma_start3A_316 = arith.constant 0 : i32
        %dma_start3A_317 = arith.constant 0 : i32
        %dma_start3A_318 = tpu.memref_slice %arg3[%dma_start3A_316, %dma_start3A_317] : memref<10000x128xf32, #tpu.memory_space<hbm>> -> memref<10000x128xf32, #tpu.memory_space<hbm>>
        %dma_start3A_319 = tpu.memref_slice %arg16[%select_n3A_309] : memref<16x!tpu.dma_semaphore, #tpu.memory_space<semaphore_mem>> -> memref<1x!tpu.dma_semaphore, #tpu.memory_space<semaphore_mem>>
        %dma_start3A_320 = tpu.memref_squeeze %dma_start3A_319 : memref<1x!tpu.dma_semaphore, #tpu.memory_space<semaphore_mem>> -> memref<!tpu.dma_semaphore, #tpu.memory_space<semaphore_mem>>
        tpu.enqueue_indirect_dma source(%dma_start3A_318 : memref<10000x128xf32, #tpu.memory_space<hbm>>) target(%dma_start3A_314 : memref<16x128xf32, #tpu.memory_space<vmem>>) offsets(%dma_start3A_315 : memref<16xi32, #tpu.memory_space<vmem>>) semaphore(%dma_start3A_320 : memref<!tpu.dma_semaphore, #tpu.memory_space<semaphore_mem>>)
      } else {
      }
      %while3A_291 = arith.constant 0 : i32
      scf.yield %while3A_291 : i32
    }
    %barrier3A = arith.constant 0 : index
    tpu.barrier barrier_id(%barrier3A)
    %mul3A_241 = arith.constant 64 : i32
    %mul3A_242 = arith.muli %arg1, %mul3A_241 : i32
    %mul3A_243 = arith.constant 64 : i32
    %mul3A_244 = arith.muli %arg1, %mul3A_243 : i32
    "tpu.region"() ({
      %run_scoped3A = tpu.sem_alloc : memref<!tpu.dma_semaphore, #tpu.memory_space<semaphore_mem>>
      %dma_start3A = arith.constant 0 : i32
      %dma_start3A_249 = tpu.memref_slice %arg6[%arg0, %mul3A_244, %dma_start3A] : memref<2x1024x128xf32, #tpu.memory_space<hbm>> -> memref<1x64x128xf32, #tpu.memory_space<hbm>>
      %dma_start3A_250 = tpu.memref_squeeze %dma_start3A_249 : memref<1x64x128xf32, #tpu.memory_space<hbm>> -> memref<64x128xf32, #tpu.memory_space<hbm>>
      %dma_start3A_251 = arith.constant 0 : i32
      %dma_start3A_252 = tpu.memref_slice %arg14[%mul3A_242, %dma_start3A_251] : memref<1024x128xf32, #tpu.memory_space<vmem_shared>> -> memref<64x128xf32, #tpu.memory_space<vmem_shared>>
      tpu.enqueue_dma source(%dma_start3A_252 : memref<64x128xf32, #tpu.memory_space<vmem_shared>>) target(%dma_start3A_250 : memref<64x128xf32, #tpu.memory_space<hbm>>) target_semaphore(%run_scoped3A : memref<!tpu.dma_semaphore, #tpu.memory_space<semaphore_mem>>)
      %dma_wait3A = arith.constant 0 : i32
      %dma_wait3A_253 = tpu.memref_slice %arg6[%arg0, %mul3A_244, %dma_wait3A] : memref<2x1024x128xf32, #tpu.memory_space<hbm>> -> memref<1x64x128xf32, #tpu.memory_space<hbm>>
      %dma_wait3A_254 = tpu.memref_squeeze %dma_wait3A_253 : memref<1x64x128xf32, #tpu.memory_space<hbm>> -> memref<64x128xf32, #tpu.memory_space<hbm>>
      %dma_wait3A_255 = arith.constant 0 : i32
      %dma_wait3A_256 = tpu.memref_slice %arg14[%mul3A_242, %dma_wait3A_255] : memref<1024x128xf32, #tpu.memory_space<vmem_shared>> -> memref<64x128xf32, #tpu.memory_space<vmem_shared>>
      tpu.wait_dma2 semaphore(%run_scoped3A : memref<!tpu.dma_semaphore, #tpu.memory_space<semaphore_mem>>) src(%dma_wait3A_256 : memref<64x128xf32, #tpu.memory_space<vmem_shared>>) dst(%dma_wait3A_254 : memref<64x128xf32, #tpu.memory_space<hbm>>)
      tpu.yield
    }) : () -> ()
    %mul3A_245 = arith.constant 64 : i32
    %mul3A_246 = arith.muli %arg1, %mul3A_245 : i32
    %mul3A_247 = arith.constant 64 : i32
    %mul3A_248 = arith.muli %arg1, %mul3A_247 : i32
    "tpu.region"() ({
      %run_scoped3A = tpu.sem_alloc : memref<!tpu.dma_semaphore, #tpu.memory_space<semaphore_mem>>
      %dma_start3A = arith.constant 0 : i32
      %dma_start3A_249 = tpu.memref_slice %arg7[%arg0, %mul3A_248, %dma_start3A] : memref<2x1024x16xf32, #tpu.memory_space<hbm>> -> memref<1x64x16xf32, #tpu.memory_space<hbm>>
      %dma_start3A_250 = tpu.memref_squeeze %dma_start3A_249 : memref<1x64x16xf32, #tpu.memory_space<hbm>> -> memref<64x16xf32, #tpu.memory_space<hbm>>
      %dma_start3A_251 = arith.constant 0 : i32
      %dma_start3A_252 = tpu.memref_slice %arg15[%mul3A_246, %dma_start3A_251] : memref<1024x16xf32, #tpu.memory_space<vmem_shared>> -> memref<64x16xf32, #tpu.memory_space<vmem_shared>>
      tpu.enqueue_dma source(%dma_start3A_252 : memref<64x16xf32, #tpu.memory_space<vmem_shared>>) target(%dma_start3A_250 : memref<64x16xf32, #tpu.memory_space<hbm>>) target_semaphore(%run_scoped3A : memref<!tpu.dma_semaphore, #tpu.memory_space<semaphore_mem>>)
      %dma_wait3A = arith.constant 0 : i32
      %dma_wait3A_253 = tpu.memref_slice %arg7[%arg0, %mul3A_248, %dma_wait3A] : memref<2x1024x16xf32, #tpu.memory_space<hbm>> -> memref<1x64x16xf32, #tpu.memory_space<hbm>>
      %dma_wait3A_254 = tpu.memref_squeeze %dma_wait3A_253 : memref<1x64x16xf32, #tpu.memory_space<hbm>> -> memref<64x16xf32, #tpu.memory_space<hbm>>
      %dma_wait3A_255 = arith.constant 0 : i32
      %dma_wait3A_256 = tpu.memref_slice %arg15[%mul3A_246, %dma_wait3A_255] : memref<1024x16xf32, #tpu.memory_space<vmem_shared>> -> memref<64x16xf32, #tpu.memory_space<vmem_shared>>
      tpu.wait_dma2 semaphore(%run_scoped3A : memref<!tpu.dma_semaphore, #tpu.memory_space<semaphore_mem>>) src(%dma_wait3A_256 : memref<64x16xf32, #tpu.memory_space<vmem_shared>>) dst(%dma_wait3A_254 : memref<64x16xf32, #tpu.memory_space<hbm>>)
      tpu.yield
    }) : () -> ()
    return
  }
}

module attributes {stable_mosaic.version = 14 : i64} {
  func.func @_mlp_body(%arg0: memref<1000x128xf32, #tpu.memory_space<vmem>>, %arg1: memref<128x128xf32, #tpu.memory_space<vmem>>, %arg2: memref<1x128xf32, #tpu.memory_space<vmem>>, %arg3: memref<128x128xf32, #tpu.memory_space<vmem>>, %arg4: memref<1x128xf32, #tpu.memory_space<vmem>>, %arg5: memref<1000x128xf32, #tpu.memory_space<vmem>>) attributes {dimension_semantics = [], scalar_prefetch = 0 : i64, scratch_operands = 0 : i64, tpu.core_type = #tpu.core_type<tc>} {
    %get3A = arith.constant 0 : index
    %get3A_0 = arith.constant 0 : index
    %get3A_1 = vector.load %arg0[%get3A, %get3A_0] : memref<1000x128xf32, #tpu.memory_space<vmem>>, vector<1000x128xf32>
    %get3A_2 = arith.constant 0 : index
    %get3A_3 = arith.constant 0 : index
    %get3A_4 = vector.load %arg1[%get3A_2, %get3A_3] : memref<128x128xf32, #tpu.memory_space<vmem>>, vector<128x128xf32>
    %dot_general3A = arith.constant dense<0.000000e+00> : vector<1000x128xf32>
    %dot_general3A_5 = tpu.matmul %get3A_1, %get3A_4, %dot_general3A {dimension_numbers = #tpu.dot_dimension_numbers<[1], [1], [0], [0], [0, 0, 1, 0], [], []>, transpose_lhs_hint = false} : vector<1000x128xf32>, vector<128x128xf32>, vector<1000x128xf32> -> vector<1000x128xf32>
    %get3A_6 = arith.constant 0 : index
    %get3A_7 = arith.constant 0 : index
    %get3A_8 = vector.load %arg2[%get3A_6, %get3A_7] : memref<1x128xf32, #tpu.memory_space<vmem>>, vector<1x128xf32>
    %add3A = vector.broadcast %get3A_8 : vector<1x128xf32> to vector<1000x128xf32>
    %add3A_9 = arith.addf %dot_general3A_5, %add3A : vector<1000x128xf32>
    %max3A = arith.constant 0.000000e+00 : f32
    %max3A_10 = vector.broadcast %max3A : f32 to vector<1000x128xf32>
    %max3A_11 = arith.maximumf %add3A_9, %max3A_10 : vector<1000x128xf32>
    %get3A_12 = arith.constant 0 : index
    %get3A_13 = arith.constant 0 : index
    %get3A_14 = vector.load %arg3[%get3A_12, %get3A_13] : memref<128x128xf32, #tpu.memory_space<vmem>>, vector<128x128xf32>
    %dot_general3A_15 = arith.constant dense<0.000000e+00> : vector<1000x128xf32>
    %dot_general3A_16 = tpu.matmul %max3A_11, %get3A_14, %dot_general3A_15 {dimension_numbers = #tpu.dot_dimension_numbers<[1], [1], [0], [0], [0, 0, 1, 0], [], []>, transpose_lhs_hint = false} : vector<1000x128xf32>, vector<128x128xf32>, vector<1000x128xf32> -> vector<1000x128xf32>
    %get3A_17 = arith.constant 0 : index
    %get3A_18 = arith.constant 0 : index
    %get3A_19 = vector.load %arg4[%get3A_17, %get3A_18] : memref<1x128xf32, #tpu.memory_space<vmem>>, vector<1x128xf32>
    %add3A_20 = vector.broadcast %get3A_19 : vector<1x128xf32> to vector<1000x128xf32>
    %add3A_21 = arith.addf %dot_general3A_16, %add3A_20 : vector<1000x128xf32>
    %max3A_22 = arith.constant 0.000000e+00 : f32
    %max3A_23 = vector.broadcast %max3A_22 : f32 to vector<1000x128xf32>
    %max3A_24 = arith.maximumf %add3A_21, %max3A_23 : vector<1000x128xf32>
    %swap3A = arith.constant 0 : index
    %swap3A_25 = arith.constant 0 : index
    %swap3A_26 = vector.load %arg5[%swap3A, %swap3A_25] : memref<1000x128xf32, #tpu.memory_space<vmem>>, vector<1000x128xf32>
    tpu.vector_store %arg5[%swap3A, %swap3A_25], %max3A_24 {strides = array<i32>} : memref<1000x128xf32, #tpu.memory_space<vmem>>, vector<1000x128xf32>,
    return
  }
}

module attributes {stable_mosaic.version = 14 : i64} {
  func.func @_final_body(%arg0: memref<2x1024x128xf32, #tpu.memory_space<vmem>>, %arg1: memref<2x1024x16xf32, #tpu.memory_space<vmem>>, %arg2: memref<1000x128xf32, #tpu.memory_space<vmem>>, %arg3: memref<128x128xf32, #tpu.memory_space<vmem>>, %arg4: memref<128x128xf32, #tpu.memory_space<vmem>>, %arg5: memref<1x128xf32, #tpu.memory_space<vmem>>, %arg6: memref<1000x128xf32, #tpu.memory_space<vmem>>) attributes {dimension_semantics = [], scalar_prefetch = 0 : i64, scratch_operands = 0 : i64, tpu.core_type = #tpu.core_type<tc>} {
    %get3A = arith.constant 0 : index
    %get3A_0 = arith.constant 0 : index
    %get3A_1 = arith.constant 0 : index
    %get3A_2 = vector.load %arg0[%get3A, %get3A_0, %get3A_1] : memref<2x1024x128xf32, #tpu.memory_space<vmem>>, vector<1x1024x128xf32>
    %get3A_3 = vector.shape_cast %get3A_2 : vector<1x1024x128xf32> to vector<1024x128xf32>
    %get3A_4 = arith.constant 1 : index
    %get3A_5 = arith.constant 0 : index
    %get3A_6 = arith.constant 0 : index
    %get3A_7 = vector.load %arg0[%get3A_4, %get3A_5, %get3A_6] : memref<2x1024x128xf32, #tpu.memory_space<vmem>>, vector<1x1024x128xf32>
    %get3A_8 = vector.shape_cast %get3A_7 : vector<1x1024x128xf32> to vector<1024x128xf32>
    %add3A = arith.addf %get3A_3, %get3A_8 : vector<1024x128xf32>
    %get3A_9 = arith.constant 0 : index
    %get3A_10 = arith.constant 0 : index
    %get3A_11 = arith.constant 0 : index
    %get3A_12 = vector.load %arg1[%get3A_9, %get3A_10, %get3A_11] : memref<2x1024x16xf32, #tpu.memory_space<vmem>>, vector<1x1024x16xf32>
    %get3A_13 = vector.shape_cast %get3A_12 : vector<1x1024x16xf32> to vector<1024x16xf32>
    %get3A_14 = arith.constant 1 : index
    %get3A_15 = arith.constant 0 : index
    %get3A_16 = arith.constant 0 : index
    %get3A_17 = vector.load %arg1[%get3A_14, %get3A_15, %get3A_16] : memref<2x1024x16xf32, #tpu.memory_space<vmem>>, vector<1x1024x16xf32>
    %get3A_18 = vector.shape_cast %get3A_17 : vector<1x1024x16xf32> to vector<1024x16xf32>
    %add3A_19 = arith.addf %get3A_13, %get3A_18 : vector<1024x16xf32>
    %slice3A = vector.extract_strided_slice %add3A_19 {offsets = [0, 0], sizes = [1000, 1], strides = [1, 1]} : vector<1024x16xf32> to vector<1000x1xf32>
    %slice3A_20 = vector.extract_strided_slice %add3A {offsets = [0, 0], sizes = [1000, 128], strides = [1, 1]} : vector<1024x128xf32> to vector<1000x128xf32>
    %max3A = arith.constant 1.000000e+00 : f32
    %max3A_21 = vector.broadcast %max3A : f32 to vector<1000x1xf32>
    %max3A_22 = arith.maximumf %slice3A, %max3A_21 : vector<1000x1xf32>
    %div3A = vector.broadcast %max3A_22 : vector<1000x1xf32> to vector<1000x128xf32>
    %div3A_23 = arith.divf %slice3A_20, %div3A : vector<1000x128xf32>
    %get3A_24 = arith.constant 0 : index
    %get3A_25 = arith.constant 0 : index
    %get3A_26 = vector.load %arg3[%get3A_24, %get3A_25] : memref<128x128xf32, #tpu.memory_space<vmem>>, vector<128x128xf32>
    %dot_general3A = arith.constant dense<0.000000e+00> : vector<1000x128xf32>
    %dot_general3A_27 = tpu.matmul %div3A_23, %get3A_26, %dot_general3A {dimension_numbers = #tpu.dot_dimension_numbers<[1], [1], [0], [0], [0, 0, 1, 0], [], []>, transpose_lhs_hint = false} : vector<1000x128xf32>, vector<128x128xf32>, vector<1000x128xf32> -> vector<1000x128xf32>
    %get3A_28 = arith.constant 0 : index
    %get3A_29 = arith.constant 0 : index
    %get3A_30 = vector.load %arg2[%get3A_28, %get3A_29] : memref<1000x128xf32, #tpu.memory_space<vmem>>, vector<1000x128xf32>
    %get3A_31 = arith.constant 0 : index
    %get3A_32 = arith.constant 0 : index
    %get3A_33 = vector.load %arg4[%get3A_31, %get3A_32] : memref<128x128xf32, #tpu.memory_space<vmem>>, vector<128x128xf32>
    %dot_general3A_34 = arith.constant dense<0.000000e+00> : vector<1000x128xf32>
    %dot_general3A_35 = tpu.matmul %get3A_30, %get3A_33, %dot_general3A_34 {dimension_numbers = #tpu.dot_dimension_numbers<[1], [1], [0], [0], [0, 0, 1, 0], [], []>, transpose_lhs_hint = false} : vector<1000x128xf32>, vector<128x128xf32>, vector<1000x128xf32> -> vector<1000x128xf32>
    %add3A_36 = arith.addf %dot_general3A_27, %dot_general3A_35 : vector<1000x128xf32>
    %get3A_37 = arith.constant 0 : index
    %get3A_38 = arith.constant 0 : index
    %get3A_39 = vector.load %arg5[%get3A_37, %get3A_38] : memref<1x128xf32, #tpu.memory_space<vmem>>, vector<1x128xf32>
    %add3A_40 = vector.broadcast %get3A_39 : vector<1x128xf32> to vector<1000x128xf32>
    %add3A_41 = arith.addf %add3A_36, %add3A_40 : vector<1000x128xf32>
    %max3A_42 = arith.constant 0.000000e+00 : f32
    %max3A_43 = vector.broadcast %max3A_42 : f32 to vector<1000x128xf32>
    %max3A_44 = arith.maximumf %add3A_41, %max3A_43 : vector<1000x128xf32>
    %swap3A = arith.constant 0 : index
    %swap3A_45 = arith.constant 0 : index
    %swap3A_46 = vector.load %arg6[%swap3A, %swap3A_45] : memref<1000x128xf32, #tpu.memory_space<vmem>>, vector<1000x128xf32>
    tpu.vector_store %arg6[%swap3A, %swap3A_45], %max3A_44 {strides = array<i32>} : memref<1000x128xf32, #tpu.memory_space<vmem>>, vector<1000x128xf32>,
    return
  }
}

</mosaic_0001>

<sc_bundles>
// kernel: kernel.5.cloned.1.call-start
scs
__scs_entry_jumppad:
0x0: {  	(pc) =	sbr.rel $0x88, $3  }
0x1: {  	(tag) =	ssettag $0x0;
	lr =	simm.s32 $0x1  }
0x2: {  	[smem:$0x3F97] =	sst lr;
	_ =	strace $0xD0000000  }
0x3: {  	_ = 	snop  }
0x4: {  	_ = 	snop  }
0x5: {  	_ = 	snop  }
0x6: {  	_ = 	snop  }
0x7: {  	_ = 	snop  }
__scs_overlays_trampoline_lowered:
0x8: {  	[smem:$0x3FA6] =	sst s0  }
0x9: {  	[smem:$0x3FA7] =	sst s1  }
0xa: {  	[smem:$0x3FA8] =	sst s2  }
0xb: {  	[smem:$0x3FA9] =	sst s3  }
0xc: {  	[smem:$0x3FAA] =	sst s4  }
0xd: {  	[smem:$0x3FAB] =	sst s5  }
0xe: {  	[smem:$0x3FAC] =	sst s6  }
0xf: {  	[smem:$0x3FAD] =	sst s7  }
0x10: {  	[smem:$0x3FAE] =	sst s8  }
0x11: {  	[smem:$0x3FAF] =	sst s9;
	s0 =	simm.s32 @!p0 $0x0  }
0x12: {  	s1 =	sld [smem:$0x3F95];
	s0 =	simm.s32 @p0 $0x1  }
0x13: {  	[smem:$0x3FB0] =	sst s0;
	s0 =	simm.s32 @!p1 $0x0  }
0x14: {  	s2 =	sld [smem:$0x3F94];
	s0 =	simm.s32 @p1 $0x1  }
0x15: {  	[smem:$0x3FB1] =	sst s0;
	s0 =	simm.s32 @!p2 $0x0  }
0x16: {  	s3 =	sld [smem:$0x3FDB];
	s0 =	simm.s32 @p2 $0x1  }
0x17: {  	s4 =	simm.s32 $0x1BF5;
	[smem:$0x3FB3] =	sst s0  }
0x18: {  	s0 =	sld [smem:$0x3F96];
	_ =	swait.ge [sflag:s4], $0x0  }
0x19: {  	s7 =	sld [smem:$0x3F97]  }
0x1a: {  	s8 =	sadd.s32 $0xFFFFE003, lr  }
0x1b: {  	s9 =	sadd.s32 $0xFFFFFEF7, lr;
	s5 =	simm.s32 $0xFFFFFFFF;
	p2 =	slt.u32 s8, $0xFFFFF086  }
0x1c: {  	p1 =	slt.u32 s9, $0xF7A;
	s5 =	simm.s32 @!p2 $0x0  }
0x1d: {  	s5 =	simm.s32 @p1 $0x1;
	p0 =	seq.s32 s7, s2  }
0x1e: {  	s7 =	smul.u32 @!p0 $0xF7A, s2;
	p2 =	seq.s32 @!p0 s5, $0x0  }
0x1f: {  	s9 =	smul.u32 $0xF7A, s1;
	s8 =	simm.s32 @!p0 $0x1BF5;
	p2 =	por !p2, p0  }
0x20: {  	[sflag:s8] =	ssyncset.s32 @!p0 $0xFFFFF086;
	s6 =	sadd.s32 @!p0 s3, s7;
	s7 =	simm.s32 @!p0 $0x108  }
0x21: {  	s3 =	sadd.s32 s3, s9;
	s6 =	sadd.s32 @!p0 $0x88, s6;
	s7 =	simm.s32 @p2 $0x1082  }
0x22: {  	[simem:s7], [sflag:s8] =	dma.local @!p0 [hbm:s6], $0xF7A  }
0x23: {  	s9 =	sor.u32 $0xD0000000, s2;
	s6 =	simm.s32 $0x108;
	_ =	swait.ge @!p0 [sflag:s8], $0x0  }
0x24: {  	s3 =	sadd.s32 $0x88, s3;
	s6 =	simm.s32 @!p1 $0x1082;
	[sflag:s4] =	ssyncset.s32 $0xFFFFF086  }
0x25: {  	[simem:s6], [sflag:s4] =	dma.local [hbm:s3], $0xF7A  }
0x26: {  	[smem:$0x3F97] =	sst s1;
	(tag) =	ssettag s2;
	_ =	strace s9  }
0x27: {  	s1 =	sld [smem:$0x3FA7]  }
0x28: {  	s2 =	sld [smem:$0x3FA8]  }
0x29: {  	s4 =	sld [smem:$0x3FAA]  }
0x2a: {  	p0 =	seq.s32 s5, $0x0;
	s5 =	sld [smem:$0x3FAB]  }
0x2b: {  	s6 =	sld [smem:$0x3FAC]  }
0x2c: {  	s7 =	sld [smem:$0x3FAD]  }
0x2d: {  	s3 =	simm.s32 $0x108;
	s8 =	sld [smem:$0x3FAE]  }
0x2e: {  	s3 =	simm.s32 @!p0 $0x1082;
	s9 =	sld [smem:$0x3FAF]  }
0x2f: {  	lr =	sadd.s32 s0, s3;
	s0 =	sld [smem:$0x3FA6]  }
0x30: {  	s3 =	sld [smem:$0x3FA9]  }
0x31: {  	[smem:$0x3FB2] =	sst s10  }
0x32: {  	s10 =	sld [smem:$0x3FB0];
	_ =	sdelay $0x3  }
0x33: {  	p0 =	seq.s32 s10, $0x1;
	s10 =	sld [smem:$0x3FB2];
	_ =	sdelay $0x3  }
0x34: {  	[smem:$0x3FB2] =	sst s10  }
0x35: {  	s10 =	sld [smem:$0x3FB1];
	_ =	sdelay $0x3  }
0x36: {  	p1 =	seq.s32 s10, $0x1;
	s10 =	sld [smem:$0x3FB2];
	_ =	sdelay $0x3  }
0x37: {  	[smem:$0x3FB2] =	sst s10  }
0x38: {  	s10 =	sld [smem:$0x3FB3]  }
0x39: {  	_ = 	snop;
	(pc) =	sbr.ind lr, $3  }
0x3a: {  	_ = 	snop  }
0x3b: {  	_ = 	snop  }
0x3c: {  	p2 =	seq.s32 s10, $0x1;
	s10 =	sld [smem:$0x3FB2]  }
0x3d: {  	_ =	shalt  }
0x3e: {  	_ =	shalt  }
0x3f: {  	_ =	shalt  }
0x40: {  	_ =	shalt  }
0x41: {  	_ =	shalt  }
0x42: {  	_ =	shalt  }
0x43: {  	_ =	shalt  }
0x44: {  	_ =	shalt  }
0x45: {  	_ =	shalt  }
0x46: {  	_ =	shalt  }
0x47: {  	_ =	shalt  }
0x48: {  	_ =	shalt  }
0x49: {  	_ =	shalt  }
0x4a: {  	_ =	shalt  }
0x4b: {  	_ =	shalt  }
0x4c: {  	_ =	shalt  }
0x4d: {  	_ =	shalt  }
0x4e: {  	_ =	shalt  }
0x4f: {  	_ =	shalt  }
0x50: {  	_ =	shalt  }
0x51: {  	_ =	shalt  }
0x52: {  	_ =	shalt  }
0x53: {  	_ =	shalt  }
0x54: {  	_ =	shalt  }
0x55: {  	_ =	shalt  }
0x56: {  	_ =	shalt  }
0x57: {  	_ =	shalt  }
0x58: {  	_ =	shalt  }
0x59: {  	_ =	shalt  }
0x5a: {  	_ =	shalt  }
0x5b: {  	_ =	shalt  }
0x5c: {  	_ =	shalt  }
0x5d: {  	_ =	shalt  }
0x5e: {  	_ =	shalt  }
0x5f: {  	_ =	shalt  }
0x60: {  	_ =	shalt  }
0x61: {  	_ =	shalt  }
0x62: {  	_ =	shalt  }
0x63: {  	_ =	shalt  }
0x64: {  	_ =	shalt  }
0x65: {  	_ =	shalt  }
0x66: {  	_ =	shalt  }
0x67: {  	_ =	shalt  }
0x68: {  	_ =	shalt  }
0x69: {  	_ =	shalt  }
0x6a: {  	_ =	shalt  }
0x6b: {  	_ =	shalt  }
0x6c: {  	_ =	shalt  }
0x6d: {  	_ =	shalt  }
0x6e: {  	_ =	shalt  }
0x6f: {  	_ =	shalt  }
0x70: {  	_ =	shalt  }
0x71: {  	_ =	shalt  }
0x72: {  	_ =	shalt  }
0x73: {  	_ =	shalt  }
0x74: {  	_ =	shalt  }
0x75: {  	_ =	shalt  }
0x76: {  	_ =	shalt  }
0x77: {  	_ =	shalt  }
0x78: {  	_ =	shalt  }
0x79: {  	_ =	shalt  }
0x7a: {  	_ =	shalt  }
0x7b: {  	_ =	shalt  }
0x7c: {  	_ =	shalt  }
0x7d: {  	_ =	shalt  }
0x7e: {  	_ =	shalt  }
0x7f: {  	_ =	shalt  }
0x80: {  	_ =	shalt  }
0x81: {  	_ =	shalt  }
0x82: {  	_ =	shalt  }
0x83: {  	_ =	shalt  }
0x84: {  	_ =	shalt  }
0x85: {  	_ =	shalt  }
0x86: {  	_ =	shalt  }
0x87: {  	_ =	shalt  }
.Lfunc_end0:
.L_simem_size_0:
called_computation_lowered:
.L_overlay_start_0:
0x88: {  	s2 =	sld [smem:$0x3FD9]  }
0x89: {  	s3 =	sld [smem:$0x3FFE];
	_ =	sdelay $0x1  }
0x8a: {  	s1 =	srdreg.scid  }
0x8b: {  	s0 =	sand.u32 $0x1, s1  }
0x8c: {  	s17 =	sshll.u32 s0, $0xA;
	s2 =	sadd.s32 s3, s2  }
0x8d: {  	s2 =	sadd.s32 s2, s17  }
0x8e: {  	[smem:$0x3FBE] =	sst s2  }
0x8f: {  	_ = 	snop  }
0x90: {  	s2 =	sld [smem:$0x3FD0];
	(tm) =	ssettm $0x1  }
0x91: {  	s18 =	sld [smem:$0x3FFB];
	_ =	sdelay $0x3  }
0x92: {  	_ =	strace s18  }
0x93: {  	s3 =	sld [smem:$0x3FFC];
	_ =	sdelay $0x3  }
0x94: {  	_ =	strace s3  }
0x95: {  	s3 =	sld [smem:$0x3FFD];
	_ =	sdelay $0x3  }
0x96: {  	_ =	strace s3  }
0x97: {  	_ =	strace $0x8FFFFFFF  }
0x98: {  	s19 =	sld [smem:$0x3FDB];
	_ =	sdelay $0x1  }
0x99: {  	s4 =	simm.s32 $_scs_section_size  }
0x9a: {  	s5 =	simm.s32 $_size__tile_overlayer_lowered;
	s6 =	simm.s32 $_tile_overlayer_lowered  }
0x9b: {  	s22 =	simm.s32 $0x1BFF;
	s21 =	sshll.u32 s6, $0x1;
	s3 =	sadd.s32 s4, s19  }
0x9c: {  	s7 =	simm.s32 $0x0;
	s20 =	sshll.u32 s5, $0x1;
	s5 =	sadd.s32 s21, s3  }
0x9d: {  	[timem:s7], [sflag:s22] =	dma.local [hbm:s5], s20  }
0x9e: {  	_ =	swait.ge [sflag:s22], s20  }
0x9f: {  	s4 =	ssub.s32 $0x0, s20;
	[sflag:s22] =	ssyncset.done $0x0  }
0xa0: {  	[sflag:s22] =	ssyncadd.s32 s4;
	_ =	sdelay $0x1  }
0xa1: {  	s23 =	simm.s32 $0x1B8B  }
0xa2: {  	_ =	swait.ge [sflag:s23], $0x1  }
0xa3: {  	[sflag:s23] =	ssyncset.done $0x0  }
0xa4: {  	s25 =	simm.s32 $0x1B8E;
	s24 =	sld [smem:$0x3FFE];
	[sflag:s23] =	ssyncadd.s32 $0xFFFFFFFF  }
0xa5: {  	s26 =	simm.s32 $execute0_lowered;
	[smem:$0x3FD2] =	sst s25  }
0xa6: {  	s5 =	sshll.u32 s26, $0x1;
	_ =	strace $0x80000046;
	[dreg:$0x1] =	wrdreg $0xFFFFFFFF  }
0xa7: {  	s28 =	simm.s32 $_size_execute0_lowered;
	s3 =	sadd.s32 s3, s5;
	[dreg:$0x0] =	wrdreg $0x0  }
0xa8: {  	s5 =	sshll.u32 s28, $0x1;
	[dreg:$0x2] =	wrdreg s3  }
0xa9: {  	[dreg:$0x3] =	wrdreg s5  }
0xaa: {  	[dreg:$0x4] =	wrdreg $0xC0  }
0xab: {  	_ =	task [dreg:s7], $0x5FFFF  }
0xac: {  	[dreg:$0x1] =	wrdreg $0xFFFFFFFF  }
0xad: {  	[dreg:$0x0] =	wrdreg $0x60  }
0xae: {  	[dreg:$0x2] =	wrdreg s24  }
0xaf: {  	[dreg:$0x3] =	wrdreg s2  }
0xb0: {  	[dreg:$0x4] =	wrdreg $0x11D600  }
0xb1: {  	[dreg:$0x5] =	wrdreg $0x13D600  }
0xb2: {  	[dreg:$0x6] =	wrdreg $0x9  }
0xb3: {  	_ =	task.clear_ibuf [dreg:s7], $0x7FFFF;
	_ =	strace $0x90000046  }
0xb4: {  	s29 =	simm.s32 $0x9;
	_ =	strace $0x80000048  }
0xb5: {  	_ =	swait.ge [sflag:s29], $0x1  }
0xb6: {  	[sflag:s29] =	ssyncadd.s32 $0xFFFFFFFF  }
0xb7: {  	_ =	strace $0x90000048  }
0xb8: {  	_ =	sfence  }
0xb9: {  	s30 =	sld [smem:$0x0];
	_ =	sdelay $0x2  }
0xba: {  	s31 =	sshll.u32 s1, $0xD;
	s1 =	sshrl.u32 s1, $0x2  }
0xbb: {  	s3 =	sand.u32 $0x4000, s31;
	s1 =	sadd.s32 s1, s30  }
0xbc: {  	s0 =	sor.u32 s3, s0;
	s1 =	sshll.u32 s1, $0x11  }
0xbd: {  	s0 =	sor.u32 s1, s0  }
0xbe: {  	s0 =	sadd.s32 $0x8F2B, s0  }
0xbf: {  	[sflag:s0] =	ssyncadd.remote.s32 $0x1  }
0xc0: {  	_ =	sfence.sel $0xFFFF  }
0xc1: {  	[dreg:$0x0] =	wrdreg $0xFFFFFFFF;
	(pc) =	sbr.abs _section_cstart, $3  }
0xc2: {  	[dreg:$0x1] =	wrdreg $0xFFFFFFFF  }
0xc3: {  	_ =	task.clear_ibuf [dreg:s7], $0x2FFFF;
	_ =	strace $0x9FFFFFFF  }
0xc4: {  	(tm) =	ssettm $0x7FFFFFFF  }
0xc5: {  	_ =	shalt  }
tec
execute0_lowered:
.L_overlay_start_1:
0x0: {  	(tag) =	ssettag $0x1  }
0x1: {  	s1 =	rddreg [dreg:$0x0]  }
0x2: {  	s0 =	srdreg.scid;
	s12 =	rddreg [dreg:$0x1]  }
0x3: {  	s15 =	stileid.u32;
	s2 =	rddreg [dreg:$0x2]  }
0x4: {  	s18 =	simm.s32 $0x4E20;
	s19 =	simm.s32 $0x7540;
	s24 =	simm.s32 $0x11C60  }
0x5: {  	s25 =	simm.s32 $0x0;
	s0 =	sand.u32 $0x1, s0;
	s9 =	sshll.u32 s15, $0xA  }
0x6: {  	s6 =	sshll.u32 s15, $0xD;
	s11 =	sshll.u32 s15, $0x7;
	s31 =	sshll.u32 s15, $0x6  }
0x7: {  	s3 =	sshll.u32 s0, $0x4;
	s7 =	sshll.u32 s0, $0x11;
	s8 =	sadd.s32 s9, s1  }
0x8: {  	s13 =	ssub.s32 $0x2, s0;
	s11 =	sadd.s32 s11, s1;
	s14 =	sadd.s32 s6, s2  }
0x9: {  	s0 =	sshll.u32 s0, $0xE;
	s4 =	sor.u32 s15, s3;
	s3 =	rddreg [dreg:$0x3]  }
0xa: {  	s7 =	sor.u32 s6, s7;
	s30 =	sshrl.u32 s13, $0x1;
	s6 =	sadd.s32 $0x3D000, s8  }
0xb: {  	s8 =	sadd.s32 $0x3C800, s11;
	s0 =	sor.u32 s9, s0;
	s14 =	sshrl.u32 s14, $0x3  }
0xc: {  	s15 =	simm.s32 $0x11;
	s5 =	smul.u32 $0x2710, s4;
	s4 =	simm.s32 $0x0  }
0xd: {  	s7 =	sshrl.u32 s7, $0x3;
	s13 =	ssub.s32 s13, s30;
	s16 =	sadd.s32 s9, s3  }
.Ltmp0:
0xe: {  	s0 =	sshrl.u32 s0, $0x3;
	[smem:$0x7FF] =	sst s4;
	(pc) =	sbr.rel .LBB2_1-.Ltmp0, $4  }
0xf: {  	s12 =	sadd.s32 s12, s0;
	s13 =	smax.u32 s13, $0x1;
	s5 =	sshrl.u32 s5, $0x3  }
0x10: {  	s16 =	sshrl.u32 s16, $0x3;
	_ =	strace $0x80000047;
	s10 =	sadd.s32 s5, s1  }
0x11: {  	v0 =	vimm.f32 $1.000000000e+00;
	v1 =	vimm.s32 $0x0;
	s5 =	sadd.s32 $0x15600, s1;
	s1 =	sadd.s32 s7, s1;
	s7 =	sor.u32 $0x1C11, s31  }
0x12: {  	v2 =	vlaneseq.u32;
	v3 =	vimm.s32 $0x3E8;
	vm0 =	vmmov $0xffff;
	s9 =	sadd.s32 $0x1C00, s10;
	s10 =	sadd.s32 $0xB840, s10;
	s11 =	sadd.s32 $0x41000, s1  }
.LBB2_7:
0x13: {  	_ = 	snop  }
.LBB2_12:
0x14: {  	s17 =	sadd.s32 $0x1, s1;
	[sflag:s15] =	ssyncadd.s32 @p0 $0xFFFFFF00;
	p0 =	por p2, !p0  }
0x15: {  	[tilespmem:s0], [sflag:s30] =	stream.indirect.gather @!p0 [hbm4b:s5+s21], $0x80, s20, s21, $0xb8;
	[tilespmem:$0x14160] =	vst v63  }
0x16: {  	_ =	swait.ge [sflag:s17], $0x800  }
0x17: {  	[sflag:s17] =	ssyncset.done $0x0  }
0x18: {  	[sflag:s17] =	ssyncadd.s32 $0xFFFFF800  }
0x19: {  	v4 =	vld [tilespmem:s29+$0x0];
	_ =	sdelay $0x5  }
0x1a: {  	s30 =	sshll.u32 s1, $0xB  }
0x1b: {  	s0 =	sadd.s32 $0x9C60, s30  }
0x1c: {  	[spmem:s2] =	stream.indirect_vreg.scatter.add.f32 [tilespmem:s0], [sflag:$0x11], $0x80, v4, vm0, $0xb8;
	[tilespmem:$0x14160] =	vst v63  }
0x1d: {  	_ =	swait.ge [sflag:s15], $0x800  }
0x1e: {  	[sflag:s15] =	ssyncset.done $0x0  }
0x1f: {  	[sflag:s15] =	ssyncadd.s32 $0xFFFFF800  }
0x20: {  	[spmem:s3] =	stream.indirect_vreg.scatter.add.f32 [tilespmem:s24], [sflag:$0x11], $0x10, v4, vm0, $0xb8;
	[tilespmem:$0x14160] =	vst v63  }
0x21: {  	s31 =	sadd.s32 $0x10, s22;
	_ =	swait.ge [sflag:s15], $0x100  }
0x22: {  	p0 =	sge.s32 s31, s26;
	[sflag:s15] =	ssyncset.done $0x0  }
0x23: {  	s1 =	simm.s32 @!p0 $0x10;
	[sflag:s15] =	ssyncadd.s32 $0xFFFFFF00  }
0x24: {  	[tilespmem:s0], [sflag:s17] =	stream.indirect.gather @!p0 [hbm4b:s5+s1], $0x80, s23, s1, $0xb8;
	[tilespmem:$0x14160] =	vst v63  }
.LBB2_13:
0x25: {  	[bflag:$0x0] =	sbarrier.arrive $0xFFFF  }
0x26: {  	[hbm:s11], [sflag:s7] =	dma.local [spmem:s14], $0x400  }
0x27: {  	s25 =	sadd.s32 $0x1, s25;
	_ =	swait.ge [sflag:s15], $0x400  }
0x28: {  	p0 =	sne.s32 s25, s13;
	[sflag:s15] =	ssyncset.done $0x0  }
.Ltmp1:
0x29: {  	[sflag:s15] =	ssyncadd.s32 $0xFFFFFC00;
	(pc) =	sbr.rel @!p0 .LBB2_14-.Ltmp1, $4  }
0x2a: {  	[hbm:s12], [sflag:s7] =	dma.local [spmem:s16], $0x80  }
0x2b: {  	_ =	swait.ge [sflag:s15], $0x80  }
0x2c: {  	[sflag:s15] =	ssyncset.done $0x0  }
0x2d: {  	[sflag:s15] =	ssyncadd.s32 $0xFFFFFF80  }
.LBB2_1:
0x2e: {  	[spmem:s14], [sflag:s7] =	dma.local [hbm:s6], $0x400  }
0x2f: {  	_ =	swait.ge [sflag:s15], $0x400  }
0x30: {  	[sflag:s15] =	ssyncset.done $0x0  }
0x31: {  	[sflag:s15] =	ssyncadd.s32 $0xFFFFFC00  }
0x32: {  	[spmem:s16], [sflag:s7] =	dma.local [hbm:s8], $0x80  }
0x33: {  	_ =	swait.ge [sflag:s15], $0x80  }
0x34: {  	[sflag:s15] =	ssyncset.done $0x0  }
0x35: {  	[sflag:s15] =	ssyncadd.s32 $0xFFFFFF80  }
0x36: {  	[tilespmem:$0x11C60] =	vst v0  }
0x37: {  	[tilespmem:$0x11C70] =	vst v0  }
0x38: {  	[tilespmem:$0x11C80] =	vst v0  }
0x39: {  	[tilespmem:$0x11C90] =	vst v0  }
0x3a: {  	[tilespmem:$0x11CA0] =	vst v0  }
0x3b: {  	[tilespmem:$0x11CB0] =	vst v0  }
0x3c: {  	[tilespmem:$0x11CC0] =	vst v0  }
0x3d: {  	[tilespmem:$0x11CD0] =	vst v0  }
0x3e: {  	[tilespmem:$0x11CE0] =	vst v0  }
0x3f: {  	[tilespmem:$0x11CF0] =	vst v0  }
0x40: {  	[tilespmem:$0x11D00] =	vst v0  }
0x41: {  	[tilespmem:$0x11D10] =	vst v0  }
0x42: {  	[tilespmem:$0x11D20] =	vst v0  }
0x43: {  	[tilespmem:$0x11D30] =	vst v0  }
0x44: {  	[tilespmem:$0x11D40] =	vst v0  }
0x45: {  	[tilespmem:$0x11D50] =	vst v0  }
0x46: {  	[tilespmem:s4], [sflag:$0x11] =	stream.linear.gather [hbm4b:s9+s4], $0x2710, $0x38;
	[tilespmem:$0x14160] =	vst v63  }
0x47: {  	_ =	swait.ge [sflag:s15], $0x2710  }
0x48: {  	[sflag:s15] =	ssyncset.done $0x0  }
0x49: {  	s0 =	simm.s32 $0x2710;
	[sflag:s15] =	ssyncadd.s32 $0xFFFFD8F0  }
0x4a: {  	[tilespmem:s0], [sflag:$0x11] =	stream.linear.gather [hbm4b:s10+s4], $0x2710, $0x38;
	[tilespmem:$0x14160] =	vst v63  }
0x4b: {  	_ =	swait.ge [sflag:s15], $0x2710  }
0x4c: {  	[sflag:s15] =	ssyncset.done $0x0  }
0x4d: {  	s0 =	simm.s32 $0x0;
	[sflag:s15] =	ssyncadd.s32 $0xFFFFD8F0  }
0x4e: {  	s1 =	simm.s32 $0x40;
	v6 =	vimm.s32 $0x0;
	v5 =	vimm.s32 $0x0;
	v4 =	vld [tilespmem:s0+$0x2710]  }
.LBB2_2:
0x4f: {  	p0 =	sne.s32 s1, $0x9C00;
	_ =	sdelay $0x3  }
0x50: {  	vm1 =	vlt.s32 v4, $0x3E8  }
0x51: {  	v7 =	vsel vm1, $0x1, v1;
	v8 =	vmpcnt.ones.xlane vm1  }
0x52: {  	(xrf0) =	vadd.scan.msk.s32 $0xffff, v7  }
0x53: {  	v6 =	vadd.s32 v6, v8;
	_ =	sdelay $0x4  }
0x54: {  	v7, _, _ =	vpop (xrf0)  }
0x55: {  	v7 =	vadd.s32 v7, v5;
	v5 =	vmov v6  }
0x56: {  	v8 =	vld [tilespmem:s0+$0x0];
	v7 =	vadd.s32 $0xFFFFFFFF, v7;
	_ =	sdelay $0x2  }
.Ltmp2:
0x57: {  	(pc) =	sbr.rel @p0 .LBB2_2-.Ltmp2, $4  }
0x58: {  	_ = 	snop  }
0x59: {  	[tilespmem:v7+s18+$0x0] =	vst.idx.msk vm1, v8  }
0x5a: {  	s0 =	sshra.s32 s1, $0x2;
	[tilespmem:v7+s19+$0x0] =	vst.idx.msk vm1, v4  }
0x5b: {  	s1 =	sadd.s32 $0x40, s1;
	v4 =	vld [tilespmem:s0+$0x2710]  }
0x5c: {  	_ =	sdelay $0x3  }
0x5d: {  	vm1 =	vlt.s32 v4, $0x3E8  }
0x5e: {  	v7 =	vmpcnt.ones.xlane vm1;
	_ =	sdelay $0x1  }
0x5f: {  	v8 =	vsel vm1, $0x1, v1;
	v6 =	vadd.s32 v6, v7  }
0x60: {  	(xrf0) =	vadd.scan.msk.s32 $0xffff, v8;
	v6 =	vxor.u32 $0x80000000, v6  }
0x61: {  	(xrf0) =	vmax.scan.msk.u32 $0xffff, v6;
	_ =	sdelay $0x4  }
0x62: {  	v60, _, _ =	vpop (xrf0)  }
0x63: {  	v61, _, _ =	vpop (xrf0)  }
0x64: {  	(v2sf) =	vpush v61, $0xF;
	_ =	sdelay $0xe  }
0x65: {  	s1 =	spop (v2sf)  }
0x66: {  	s30 =	sadd.s32 $0x8000000F, s1  }
0x67: {  	s1 =	sxor.u32 $0x80000000, s1;
	s20 =	sand.u32 $0xF, s30  }
0x68: {  	s31 =	sshra.s32 s30, $0x1F;
	p1 =	slt.s32 s30, $0x1;
	p0 =	sne.s32 s20, $0x0  }
0x69: {  	v5 =	vadd.s32 v60, v5;
	v63 =	vadd.s32 s1, v2;
	s1 =	sshrl.u32 s31, $0x1C;
	p0 =	por !p1, !p0  }
0x6a: {  	v62 =	vld [tilespmem:s0+$0x0];
	v5 =	vadd.s32 $0xFFFFFFFF, v5;
	s0 =	sadd.s32 s1, s30;
	s1 =	simm.s32 $0x1;
	p0 =	por !p0, !p0  }
0x6b: {  	s0 =	sshra.s32 s0, $0x4;
	s1 =	simm.s32 @!p0 $0x0  }
0x6c: {  	s26 =	ssub.s32 s0, s1  }
0x6d: {  	p0 =	slt.s32 s26, $0x1  }
.Ltmp3:
0x6e: {  	_ = 	snop;
	(pc) =	sbr.rel @p0 .LBB2_13-.Ltmp3, $4  }
0x6f: {  	[tilespmem:v5+s18+$0x0] =	vst.idx.msk vm1, v62  }
0x70: {  	[tilespmem:v5+s19+$0x0] =	vst.idx.msk vm1, v4  }
0x71: {  	[tilespmem:v63+s18+$0x0] =	vst.idx.msk $0xffff, v1  }
0x72: {  	[tilespmem:v63+s19+$0x0] =	vst.idx.msk $0xffff, v3  }
0x73: {  	s0 =	simm.s32 $0x10;
	s1 =	simm.s32 $0x9C60;
	p0 =	seq.s32 s26, $0x1  }
0x74: {  	[tilespmem:s1], [sflag:$0x1] =	stream.indirect.gather [hbm4b:s5+s0], $0x80, s18, s0, $0xb8;
	[tilespmem:$0x14160] =	vst v63  }
0x75: {  	s0 =	simm.s32 @!p0 $0x10  }
0x76: {  	s1 =	simm.s32 @!p0 $0x4E30;
	s20 =	simm.s32 @!p0 $0xA460;
	p1 =	slt.u32 @!p0 s26, $0x3  }
0x77: {  	[tilespmem:s20], [sflag:$0x2] =	stream.indirect.gather @!p0 [hbm4b:s5+s0], $0x80, s1, s0, $0xb8;
	[tilespmem:$0x14160] =	vst v63  }
0x78: {  	p0 =	por p0, p1  }
0x79: {  	s0 =	simm.s32 @!p0 $0x10  }
0x7a: {  	s1 =	simm.s32 @!p0 $0x4E40;
	s20 =	simm.s32 @!p0 $0xAC60;
	p1 =	seq.s32 @!p0 s26, $0x3  }
0x7b: {  	[tilespmem:s20], [sflag:$0x3] =	stream.indirect.gather @!p0 [hbm4b:s5+s0], $0x80, s1, s0, $0xb8;
	[tilespmem:$0x14160] =	vst v63  }
0x7c: {  	p0 =	por p0, p1  }
0x7d: {  	s0 =	simm.s32 @!p0 $0x10  }
0x7e: {  	s1 =	simm.s32 @!p0 $0x4E50;
	s20 =	simm.s32 @!p0 $0xB460;
	p1 =	slt.u32 @!p0 s26, $0x5  }
0x7f: {  	[tilespmem:s20], [sflag:$0x4] =	stream.indirect.gather @!p0 [hbm4b:s5+s0], $0x80, s1, s0, $0xb8;
	[tilespmem:$0x14160] =	vst v63  }
0x80: {  	p0 =	por p0, p1  }
0x81: {  	s0 =	simm.s32 @!p0 $0x10  }
0x82: {  	s1 =	simm.s32 @!p0 $0x4E60;
	s20 =	simm.s32 @!p0 $0xBC60;
	p1 =	seq.s32 @!p0 s26, $0x5  }
0x83: {  	[tilespmem:s20], [sflag:$0x5] =	stream.indirect.gather @!p0 [hbm4b:s5+s0], $0x80, s1, s0, $0xb8;
	[tilespmem:$0x14160] =	vst v63  }
0x84: {  	p0 =	por p0, p1  }
0x85: {  	s0 =	simm.s32 @!p0 $0x10  }
0x86: {  	s1 =	simm.s32 @!p0 $0x4E70;
	s20 =	simm.s32 @!p0 $0xC460;
	p1 =	slt.u32 @!p0 s26, $0x7  }
0x87: {  	[tilespmem:s20], [sflag:$0x6] =	stream.indirect.gather @!p0 [hbm4b:s5+s0], $0x80, s1, s0, $0xb8;
	[tilespmem:$0x14160] =	vst v63  }
0x88: {  	p0 =	por p0, p1  }
0x89: {  	s0 =	simm.s32 @!p0 $0x10  }
0x8a: {  	s1 =	simm.s32 @!p0 $0x4E80;
	s20 =	simm.s32 @!p0 $0xCC60;
	p1 =	seq.s32 @!p0 s26, $0x7  }
0x8b: {  	[tilespmem:s20], [sflag:$0x7] =	stream.indirect.gather @!p0 [hbm4b:s5+s0], $0x80, s1, s0, $0xb8;
	[tilespmem:$0x14160] =	vst v63  }
0x8c: {  	p0 =	por p0, p1  }
0x8d: {  	s0 =	simm.s32 @!p0 $0x10  }
0x8e: {  	s1 =	simm.s32 @!p0 $0x4E90;
	s20 =	simm.s32 @!p0 $0xD460;
	p1 =	slt.u32 @!p0 s26, $0x9  }
0x8f: {  	[tilespmem:s20], [sflag:$0x8] =	stream.indirect.gather @!p0 [hbm4b:s5+s0], $0x80, s1, s0, $0xb8;
	[tilespmem:$0x14160] =	vst v63  }
0x90: {  	p0 =	por p0, p1  }
0x91: {  	s0 =	simm.s32 @!p0 $0x10  }
0x92: {  	s1 =	simm.s32 @!p0 $0x4EA0;
	s20 =	simm.s32 @!p0 $0xDC60;
	p1 =	seq.s32 @!p0 s26, $0x9  }
0x93: {  	[tilespmem:s20], [sflag:$0x9] =	stream.indirect.gather @!p0 [hbm4b:s5+s0], $0x80, s1, s0, $0xb8;
	[tilespmem:$0x14160] =	vst v63  }
0x94: {  	p0 =	por p0, p1  }
0x95: {  	s0 =	simm.s32 @!p0 $0x10  }
0x96: {  	s1 =	simm.s32 @!p0 $0x4EB0;
	s20 =	simm.s32 @!p0 $0xE460;
	p1 =	slt.u32 @!p0 s26, $0xB  }
0x97: {  	[tilespmem:s20], [sflag:$0xA] =	stream.indirect.gather @!p0 [hbm4b:s5+s0], $0x80, s1, s0, $0xb8;
	[tilespmem:$0x14160] =	vst v63  }
0x98: {  	p0 =	por p0, p1  }
.Ltmp4:
0x99: {  	_ = 	snop;
	(pc) =	sbr.rel @p0 .LBB2_6-.Ltmp4, $1  }
0x9a: {  	_ =	sdelay $0x3  }
0x9b: {  	s0 =	simm.s32 $0x10  }
0x9c: {  	s1 =	simm.s32 $0x4EC0;
	s17 =	simm.s32 $0xEC60;
	p0 =	seq.s32 s26, $0xB  }
0x9d: {  	[tilespmem:s17], [sflag:$0xB] =	stream.indirect.gather [hbm4b:s5+s0], $0x80, s1, s0, $0xb8;
	[tilespmem:$0x14160] =	vst v63  }
0x9e: {  	s0 =	simm.s32 @!p0 $0x10;
	p1 =	slt.u32 @!p0 s26, $0xD  }
0x9f: {  	s1 =	simm.s32 @!p0 $0x4ED0;
	s20 =	simm.s32 @!p0 $0xF460;
	p2 =	por p1, p0  }
0xa0: {  	[tilespmem:s20], [sflag:$0xC] =	stream.indirect.gather @!p0 [hbm4b:s5+s0], $0x80, s1, s0, $0xb8;
	[tilespmem:$0x14160] =	vst v63  }
0xa1: {  	s0 =	simm.s32 @!p2 $0x10;
	p3 =	seq.s32 @!p2 s26, $0xD  }
0xa2: {  	s1 =	simm.s32 @!p2 $0x4EE0;
	s20 =	simm.s32 @!p2 $0xFC60;
	p4 =	por @!p0 p3, p1  }
0xa3: {  	[tilespmem:s20], [sflag:$0xD] =	stream.indirect.gather @!p2 [hbm4b:s5+s0], $0x80, s1, s0, $0xb8;
	[tilespmem:$0x14160] =	vst v63  }
0xa4: {  	p4 =	por p4, p0  }
0xa5: {  	s0 =	simm.s32 @!p4 $0x10  }
0xa6: {  	s1 =	simm.s32 @!p4 $0x4EF0;
	s20 =	simm.s32 @!p4 $0x10460;
	p5 =	slt.u32 @!p4 s26, $0xF  }
0xa7: {  	[tilespmem:s20], [sflag:$0xE] =	stream.indirect.gather @!p4 [hbm4b:s5+s0], $0x80, s1, s0, $0xb8;
	[tilespmem:$0x14160] =	vst v63  }
0xa8: {  	p6 =	por @!p2 p5, p3  }
0xa9: {  	p6 =	por @!p0 p6, p1  }
0xaa: {  	p6 =	por p6, p0  }
0xab: {  	s0 =	simm.s32 @!p6 $0x10;
	s1 =	simm.s32 @!p6 $0x4F00;
	s20 =	simm.s32 @!p6 $0x10C60  }
0xac: {  	[tilespmem:s20], [sflag:$0xF] =	stream.indirect.gather @!p6 [hbm4b:s5+s0], $0x80, s1, s0, $0xb8;
	[tilespmem:$0x14160] =	vst v63  }
0xad: {  	p6 =	seq.s32 @!p6 s26, $0xF  }
0xae: {  	p4 =	por @!p4 p6, p5  }
0xaf: {  	p2 =	por @!p2 p4, p3  }
0xb0: {  	p1 =	por @!p0 p2, p1  }
0xb1: {  	p0 =	por p1, p0  }
0xb2: {  	s0 =	simm.s32 @!p0 $0x10;
	s1 =	simm.s32 @!p0 $0x4F10;
	s20 =	simm.s32 @!p0 $0x11460  }
0xb3: {  	[tilespmem:s20], [sflag:$0x10] =	stream.indirect.gather @!p0 [hbm4b:s5+s0], $0x80, s1, s0, $0xb8;
	[tilespmem:$0x14160] =	vst v63  }
.LBB2_6:
0xb4: {  	p1 =	sne.s32 s26, $0x1  }
.Ltmp5:
0xb5: {  	_ = 	snop;
	(pc) =	sbr.rel @!p1 .LBB2_7-.Ltmp5, $3  }
0xb6: {  	_ =	sdelay $0x1  }
0xb7: {  	s22 =	simm.s32 $0x0;
	s23 =	simm.s32 $0x4F20;
	s29 =	simm.s32 $0x7540  }
0xb8: {  	s31 =	simm.s32 $0x1;
	p0 =	por $0x0, $0x0;
	s1 =	sand.u32 $0xF, s22  }
0xb9: {  	s30 =	sadd.s32 $0x1, s1  }
0xba: {  	_ =	swait.ge [sflag:s30], $0x800  }
0xbb: {  	[sflag:s30] =	ssyncset.done $0x0  }
0xbc: {  	[sflag:s30] =	ssyncadd.s32 $0xFFFFF800  }
0xbd: {  	v4 =	vld [tilespmem:s29+$0x0];
	_ =	sdelay $0x5  }
0xbe: {  	s0 =	sshll.u32 s1, $0xB  }
0xbf: {  	s0 =	sadd.s32 $0x9C60, s0  }
0xc0: {  	[spmem:s2] =	stream.indirect_vreg.scatter.add.f32 [tilespmem:s0], [sflag:$0x11], $0x80, v4, vm0, $0xb8;
	[tilespmem:$0x14160] =	vst v63  }
0xc1: {  	p1 =	sne.s32 s26, $0x2;
	_ =	swait.ge [sflag:s15], $0x800  }
.Ltmp6:
0xc2: {  	s22 =	simm.s32 $0x2;
	[sflag:s15] =	ssyncset.done $0x0;
	(pc) =	sbr.rel @!p1 .LBB2_9-.Ltmp6, $4  }
0xc3: {  	p2 =	sle.s32 s26, $0x10;
	s28 =	simm.s32 $0x4F30;
	[sflag:s15] =	ssyncadd.s32 $0xFFFFF800  }
0xc4: {  	[spmem:s3] =	stream.indirect_vreg.scatter.add.f32 [tilespmem:s24], [sflag:$0x11], $0x10, v4, vm0, $0xb8;
	[tilespmem:$0x14160] =	vst v63  }
0xc5: {  	s1 =	sand.u32 $0xF, s31;
	p0 =	por $0x1, $0x1;
	_ =	swait.ge [sflag:s15], $0x100  }
0xc6: {  	s21 =	simm.s32 @!p2 $0x10;
	s29 =	simm.s32 $0x7550;
	[sflag:s15] =	ssyncset.done $0x0  }
.LBB2_10:
0xc7: {  	s20 =	sadd.s32 $0x1, s1;
	[sflag:s15] =	ssyncadd.s32 $0xFFFFFF00  }
0xc8: {  	s17 =	smov.u32 s31;
	s31 =	smov.u32 s22;
	s22 =	sadd.s32 $0x1, s22  }
0xc9: {  	[tilespmem:s0], [sflag:s30] =	stream.indirect.gather @!p2 [hbm4b:s5+s21], $0x80, s23, s21, $0xb8;
	[tilespmem:$0x14160] =	vst v63  }
0xca: {  	p1 =	sne.s32 s26, s22;
	s30 =	smov.u32 s20;
	_ =	swait.ge [sflag:s20], $0x800  }
0xcb: {  	s23 =	smov.u32 s28;
	[sflag:s30] =	ssyncset.done $0x0  }
0xcc: {  	[sflag:s30] =	ssyncadd.s32 $0xFFFFF800  }
0xcd: {  	v4 =	vld [tilespmem:s29+$0x0];
	_ =	sdelay $0x5  }
0xce: {  	s0 =	sshll.u32 s1, $0xB  }
0xcf: {  	s0 =	sadd.s32 $0x9C60, s0  }
0xd0: {  	[spmem:s2] =	stream.indirect_vreg.scatter.add.f32 [tilespmem:s0], [sflag:$0x11], $0x80, v4, vm0, $0xb8;
	[tilespmem:$0x14160] =	vst v63  }
0xd1: {  	_ =	swait.ge [sflag:s15], $0x800  }
.Ltmp7:
0xd2: {  	[sflag:s15] =	ssyncset.done $0x0;
	(pc) =	sbr.rel @p1 .LBB2_10-.Ltmp7, $4  }
0xd3: {  	s1 =	sadd.s32 $0x10, s17;
	s29 =	sadd.s32 $0x10, s29;
	[sflag:s15] =	ssyncadd.s32 $0xFFFFF800  }
0xd4: {  	[spmem:s3] =	stream.indirect_vreg.scatter.add.f32 [tilespmem:s24], [sflag:$0x11], $0x10, v4, vm0, $0xb8;
	[tilespmem:$0x14160] =	vst v63  }
0xd5: {  	s28 =	sadd.s32 $0x10, s28;
	p2 =	sge.s32 s1, s26;
	_ =	swait.ge [sflag:s15], $0x100  }
0xd6: {  	s1 =	sand.u32 $0xF, s31;
	s21 =	simm.s32 @!p2 $0x10;
	[sflag:s15] =	ssyncset.done $0x0  }
.Ltmp8:
0xd7: {  	(pc) =	sbr.rel .LBB2_12-.Ltmp8, $2  }
0xd8: {  	_ =	sdelay $0x2  }
0xd9: {  	s20 =	smov.u32 s23;
	s22 =	smov.u32 s31;
	s23 =	smov.u32 s28  }
.LBB2_9:
.Ltmp9:
0xda: {  	(pc) =	sbr.rel .LBB2_12-.Ltmp9, $2  }
0xdb: {  	_ =	sdelay $0x2  }
0xdc: {  	s22 =	simm.s32 $0x1;
	s20 =	simm.s32 $0x4F20;
	s23 =	simm.s32 $0x4F30  }
.LBB2_14:
0xdd: {  	_ =	sfence.sel $0x180000  }
0xde: {  	[bflag:$0x0] =	sbarrier.arrive $0xFFFF  }
0xdf: {  	_ =	strace $0x90000047  }
0xe0: {  	s0 =	stileid.u32;
	[bflag:$0x2] =	sbarrier.arrive $0xFFFF  }
0xe1: {  	p0 =	sne.s32 s0, $0x0;
	s0 =	rddreg [dreg:$0x4]  }
0xe2: {  	s0 =	sadd.s32 @!p0 $0x100000, s0  }
0xe3: {  	[sflag:s0] =	ssyncadd.tile.s32 @!p0 $0x1;
	_ =	shalt  }
.Lfunc_end2:
_tile_overlayer_lowered:
.L_overlay_start_2:
0xe4: {  	(tag) =	ssettag $0x2  }
0xe5: {  	s0 =	rddreg [dreg:$0x0];
	s2 =	stileid.u32  }
0xe6: {  	s1 =	rddreg [dreg:$0x1];
	p0 =	sne.s32 s2, $0x0  }
0xe7: {  	s3 =	rddreg [dreg:$0x2];
	[bflag:$0x3] =	sbarrier.arrive $0xFFFF;
	s2 =	simm.s32 @!p0 $0x1C11  }
0xe8: {  	[timem:s3], [sflag:s2] =	dma.local @!p0 [hbm:s0], s1  }
0xe9: {  	s0 =	simm.s32 @!p0 $0x11  }
0xea: {  	_ =	swait.ge @!p0 [sflag:s0], s1  }
0xeb: {  	s1 =	ssub.s32 @!p0 $0x0, s1;
	[sflag:s0] =	ssyncset.done @!p0 $0x0  }
0xec: {  	[sflag:s0] =	ssyncadd.s32 @!p0 s1  }
0xed: {  	[bflag:$0x3] =	sbarrier.arrive $0xFFFF  }
0xee: {  	_ =	shalt  }

</sc_bundles>
